<compile_context>
chip_gen: v7x
topology: tpu7x:2x2x1
jax: 0.10.2.dev20260603
libtpu: 0.0.44.dev20260713+nightly
codegen_flags: <defaults>
</compile_context>

<pallas_src>
import functools

import jax
import jax.numpy as jnp
from jax import lax
from jax.experimental import pallas as pl
from jax.experimental.pallas import tpu as pltpu
from jax.experimental.pallas import tpu_sc as plsc

NC = 2
NS = 16
L = 16
NW = NC * NS
CH = 128

_mesh = lambda: plsc.VectorSubcoreMesh(core_axis_name="c", subcore_axis_name="s")



def _make_degrees(n_pad, nchunk):
    @functools.partial(
        pl.kernel,
        out_type=jax.ShapeDtypeStruct((2, NW, n_pad), jnp.float32),
        mesh=_mesh(),
        compiler_params=pltpu.CompilerParams(needs_layout_passes=False),
        scratch_types=[
            pltpu.VMEM((nchunk, CH), jnp.int32),
            pltpu.VMEM((n_pad,), jnp.float32),
            pltpu.VMEM((n_pad,), jnp.float32),
        ],
    )
    def deg_kernel(src_hbm, dst_hbm, out_hbm, idxv, hist_s, hist_d):
        cid = lax.axis_index("c")
        sid = lax.axis_index("s")
        wid = sid * NC + cid

        zeros16 = jnp.zeros((L,), jnp.float32)
        ones16 = jnp.ones((L,), jnp.float32)

        def zbody(i, carry):
            hist_s[pl.ds(i * L, L)] = zeros16
            hist_d[pl.ds(i * L, L)] = zeros16
            return carry

        lax.fori_loop(0, n_pad // L, zbody, 0)

        def accum(idx_hbm, hist):
            pltpu.sync_copy(idx_hbm.at[wid], idxv)

            def rbody(r, carry):
                def jbody(j, carry2):
                    iv = idxv[r, pl.ds(j * L, L)]
                    plsc.addupdate_scatter(hist, [iv], ones16)
                    return carry2
                return lax.fori_loop(0, CH // L, jbody, carry)

            lax.fori_loop(0, nchunk, rbody, 0)

        accum(src_hbm, hist_s)
        accum(dst_hbm, hist_d)
        pltpu.sync_copy(hist_s, out_hbm.at[0, wid])
        pltpu.sync_copy(hist_d, out_hbm.at[1, wid])

    return deg_kernel



def _make_scatter(n_pad, nchunk, d):
    rows_per_tile = n_pad // NS

    @functools.partial(
        pl.kernel,
        out_type=jax.ShapeDtypeStruct((NC, n_pad, d), jnp.float32),
        mesh=_mesh(),
        compiler_params=pltpu.CompilerParams(
            needs_layout_passes=False, use_tc_tiling_on_sc=False),
        scratch_types=[
            pltpu.VMEM((nchunk, CH), jnp.int32),
            pltpu.VMEM((nchunk, CH), jnp.int32),
            pltpu.VMEM((CH, d), jnp.float32),
            pltpu.VMEM_SHARED((n_pad, d), jnp.float32),
            pltpu.SemaphoreType.DMA,
        ],
    )
    def scatter_kernel(z_hbm, src_hbm, dst_hbm, zero_hbm, out_hbm,
                       srcv, dstv, buf, agg, sem):
        cid = lax.axis_index("c")
        sid = lax.axis_index("s")
        wid = sid * NC + cid
        r0 = sid * rows_per_tile

        pltpu.sync_copy(zero_hbm.at[pl.ds(r0, rows_per_tile)],
                        agg.at[pl.ds(r0, rows_per_tile)])
        pltpu.sync_copy(src_hbm.at[wid], srcv)
        pltpu.sync_copy(dst_hbm.at[wid], dstv)
        plsc.subcore_barrier()

        def body(c, carry):
            pltpu.async_copy(z_hbm.at[srcv.at[c]], buf, sem).wait()
            pltpu.sync_copy(buf, agg.at[dstv.at[c]], add=True)
            return carry

        lax.fori_loop(0, nchunk, body, 0)
        plsc.subcore_barrier()
        pltpu.sync_copy(agg.at[pl.ds(r0, rows_per_tile)],
                        out_hbm.at[cid, pl.ds(r0, rows_per_tile)])

    return scatter_kernel



def _stage_a(xp, degs, W1, n_pad, bm=256):
    d_in, h1 = W1.shape

    def body(x_ref, deg_ref, w_ref, z_ref, ns_ref, nd_ref):
        dsum = jnp.sum(deg_ref[...], axis=1)
        ns = lax.rsqrt(jnp.maximum(dsum[0], 1.0))
        nd = lax.rsqrt(jnp.maximum(dsum[1], 1.0))
        x = x_ref[...] * ns[:, None]
        z_ref[...] = jnp.dot(x, w_ref[...], preferred_element_type=jnp.float32)
        ns_ref[...] = ns
        nd_ref[...] = nd

    return pl.pallas_call(
        body,
        grid=(n_pad // bm,),
        in_specs=[
            pl.BlockSpec((bm, d_in), lambda i: (i, 0)),
            pl.BlockSpec((2, NW, bm), lambda i: (0, 0, i)),
            pl.BlockSpec((d_in, h1), lambda i: (0, 0)),
        ],
        out_specs=[
            pl.BlockSpec((bm, h1), lambda i: (i, 0)),
            pl.BlockSpec((bm,), lambda i: (i,)),
            pl.BlockSpec((bm,), lambda i: (i,)),
        ],
        out_shape=[
            jax.ShapeDtypeStruct((n_pad, h1), jnp.float32),
            jax.ShapeDtypeStruct((n_pad,), jnp.float32),
            jax.ShapeDtypeStruct((n_pad,), jnp.float32),
        ],
    )(xp, degs, W1)


def _stage_b(s1, ns, nd, b1, W2, n_pad, bm=256):
    h1, h2 = W2.shape

    def body(s_ref, ns_ref, nd_ref, b_ref, w_ref, z_ref):
        s = s_ref[0] + s_ref[1]
        hid = jnp.maximum(s * nd_ref[...][:, None] + b_ref[...][None, :], 0.0)
        hid = hid * ns_ref[...][:, None]
        z_ref[...] = jnp.dot(hid, w_ref[...], preferred_element_type=jnp.float32)

    return pl.pallas_call(
        body,
        grid=(n_pad // bm,),
        in_specs=[
            pl.BlockSpec((2, bm, h1), lambda i: (0, i, 0)),
            pl.BlockSpec((bm,), lambda i: (i,)),
            pl.BlockSpec((bm,), lambda i: (i,)),
            pl.BlockSpec((h1,), lambda i: (0,)),
            pl.BlockSpec((h1, h2), lambda i: (0, 0)),
        ],
        out_specs=pl.BlockSpec((bm, h2), lambda i: (i, 0)),
        out_shape=jax.ShapeDtypeStruct((n_pad, h2), jnp.float32),
    )(s1, ns, nd, b1, W2)


def _decoder(s2, nd, b2, n, bm=1024, bn=1024):
    h2 = s2.shape[-1]

    def body(sa_ref, sb_ref, na_ref, nb_ref, b_ref, o_ref):
        bias = b_ref[...][None, :]
        a = jnp.maximum((sa_ref[0] + sa_ref[1]) * na_ref[...][:, None] + bias, 0.0)
        b = jnp.maximum((sb_ref[0] + sb_ref[1]) * nb_ref[...][:, None] + bias, 0.0)
        logits = lax.dot_general(
            a, b, (((1,), (1,)), ((), ())),
            preferred_element_type=jnp.float32)
        o_ref[...] = jax.nn.sigmoid(logits)

    return pl.pallas_call(
        body,
        grid=(-(-n // bm), -(-n // bn)),
        in_specs=[
            pl.BlockSpec((2, bm, h2), lambda i, j: (0, i, 0)),
            pl.BlockSpec((2, bn, h2), lambda i, j: (0, j, 0)),
            pl.BlockSpec((bm,), lambda i, j: (i,)),
            pl.BlockSpec((bn,), lambda i, j: (j,)),
            pl.BlockSpec((h2,), lambda i, j: (0,)),
        ],
        out_specs=pl.BlockSpec((bm, bn), lambda i, j: (i, j)),
        out_shape=jax.ShapeDtypeStruct((n, n), jnp.float32),
    )(s2, s2, nd, nd, b2)



def kernel(features, edge_index, W1, b1, W2, b2):
    n, d_in = features.shape
    h1 = W1.shape[1]
    h2 = W2.shape[1]
    e = edge_index.shape[1]

    n_pad = -(-(n + 1) // 256) * 256
    nchunk = -(-e // (NW * CH))
    e_pad = NW * nchunk * CH

    src = edge_index[0].astype(jnp.int32)
    dst = edge_index[1].astype(jnp.int32)
    pad_idx = jnp.full((e_pad - e,), n, jnp.int32)
    srcp = jnp.concatenate([src, pad_idx]).reshape(NW, nchunk, CH)
    dstp = jnp.concatenate([dst, pad_idx]).reshape(NW, nchunk, CH)

    degs = _make_degrees(n_pad, nchunk)(srcp, dstp)

    z1, ns, nd = _stage_a(features, degs, W1, n_pad)

    zeros1 = jnp.zeros((n_pad, h1), jnp.float32)
    s1 = _make_scatter(n_pad, nchunk, h1)(z1, srcp, dstp, zeros1)

    z2 = _stage_b(s1, ns, nd, b1, W2, n_pad)

    zeros2 = jnp.zeros((n_pad, h2), jnp.float32)
    s2 = _make_scatter(n_pad, nchunk, h2)(z2, srcp, dstp, zeros2)

    return _decoder(s2, nd, b2, n)

# --- scband reference (transcript-rebuilt; emitter-appended) ---
"""Pipeline reference for scband-gae-5317169512672 (READ-ONLY COPY).

The authoritative reference and input builder live on the scoring server;
editing this copy changes nothing except your own understanding.
"""

import jax, jax.numpy as jnp
import numpy as np

N_NODES = 10000
N_EDGES = 320000
D_IN = 128
HIDDEN = [128, 64]


def setup_inputs(seed: int = 0) -> dict:
    key = jax.random.key(seed)
    ks = jax.random.split(key, 6)
    features = jax.random.normal(ks[0], (N_NODES, D_IN), dtype=jnp.float32)
    edge_index = jax.random.randint(ks[1], (2, N_EDGES), 0, N_NODES)
    W1 = jax.random.normal(ks[2], (D_IN, HIDDEN[0]), dtype=jnp.float32) * (1.0 / np.sqrt(D_IN))
    b1 = jnp.zeros((HIDDEN[0],), dtype=jnp.float32)
    W2 = jax.random.normal(ks[3], (HIDDEN[0], HIDDEN[1]), dtype=jnp.float32) * (1.0 / np.sqrt(HIDDEN[0]))
    b2 = jnp.zeros((HIDDEN[1],), dtype=jnp.float32)
    return {"features": features, "edge_index": edge_index, "W1": W1, "b1": b1, "W2": W2, "b2": b2}


def _graph_conv(x, edge_index, W, b, n_nodes):
    # DGL-style GraphConv with norm='both': h = relu(D_in^{-1/2} A D_out^{-1/2} X W + b)
    src = edge_index[0]
    dst = edge_index[1]
    ones = jnp.ones((edge_index.shape[1],), dtype=x.dtype)
    deg_out = jax.ops.segment_sum(ones, src, num_segments=n_nodes)
    deg_in = jax.ops.segment_sum(ones, dst, num_segments=n_nodes)
    norm_src = jax.lax.rsqrt(jnp.clip(deg_out, 1.0))
    norm_dst = jax.lax.rsqrt(jnp.clip(deg_in, 1.0))
    msgs = x[src] * norm_src[src][:, None]
    agg = jax.ops.segment_sum(msgs, dst, num_segments=n_nodes)
    agg = agg * norm_dst[:, None]
    return jax.nn.relu(agg @ W + b)


def reference(features, edge_index, W1, b1, W2, b2):
    n_nodes = features.shape[0]
    h = _graph_conv(features, edge_index, W1, b1, n_nodes)
    h = _graph_conv(h, edge_index, W2, b2, n_nodes)
    a = jax.nn.sigmoid(h @ h.T)
    return a

if __name__ == "__main__":
    import jax
    _d = setup_inputs()
    print(jax.jit(kernel)(*tuple(_d.values())))

</pallas_src>

<mosaic_0001>
#map = affine_map<(d0, d1) -> (0, 0, 0)>
module attributes {stable_mosaic.version = 14 : i64} {
  func.func @deg_kernel(%arg0: i32, %arg1: i32, %arg2: memref<32x79x128xi32, #tpu.memory_space<hbm>>, %arg3: memref<32x79x128xi32, #tpu.memory_space<hbm>>, %arg4: memref<2x32x10240xf32, #tpu.memory_space<hbm>>, %arg5: memref<79x128xi32, #tpu.memory_space<vmem>>, %arg6: memref<10240xf32, #tpu.memory_space<vmem>>, %arg7: memref<10240xf32, #tpu.memory_space<vmem>>) attributes {dimension_semantics = [#tpu.dimension_semantics<core_parallel>, #tpu.dimension_semantics<subcore_parallel>], iteration_bounds = array<i64: 2, 16>, scalar_prefetch = 0 : i64, scratch_operands = 3 : i64, tpu.core_type = #tpu.core_type<sc_vector_subcore>, window_params = [{transform_indices = #map}, {transform_indices = #map}, {transform_indices = #map}]} {
    %mul3A = arith.constant 2 : i32
    %mul3A_0 = arith.muli %arg1, %mul3A : i32
    %add3A = arith.addi %mul3A_0, %arg0 : i32
    %broadcast_in_dim3A = arith.constant 0.000000e+00 : f32
    %broadcast_in_dim3A_1 = vector.broadcast %broadcast_in_dim3A : f32 to vector<16xf32>
    %broadcast_in_dim3A_2 = arith.constant 1.000000e+00 : f32
    %broadcast_in_dim3A_3 = vector.broadcast %broadcast_in_dim3A_2 : f32 to vector<16xf32>
    %scan3A = arith.constant 0 : i32
    %scan3A_4 = arith.constant 0 : i32
    %scan3A_5 = arith.constant 640 : i32
    %scan3A_6 = arith.addi %scan3A_4, %scan3A_5 : i32
    %scan3A_7 = arith.constant 1 : i32
    scf.for %scan3A_22 = %scan3A_4 to %scan3A_6 step %scan3A_7  : i32 {
      %mul3A_23 = arith.constant 16 : i32
      %mul3A_24 = arith.muli %scan3A_22, %mul3A_23 : i32
      %swap3A = arith.index_cast %mul3A_24 : i32 to index
      %swap3A_25 = tpu.vector_load %arg6[%swap3A] {strides = array<i32>} : memref<10240xf32, #tpu.memory_space<vmem>>, vector<16xf32>,
      tpu.vector_store %arg6[%swap3A], %broadcast_in_dim3A_1 {strides = array<i32>} : memref<10240xf32, #tpu.memory_space<vmem>>, vector<16xf32>,
      %mul3A_26 = arith.constant 16 : i32
      %mul3A_27 = arith.muli %scan3A_22, %mul3A_26 : i32
      %swap3A_28 = arith.index_cast %mul3A_27 : i32 to index
      %swap3A_29 = tpu.vector_load %arg7[%swap3A_28] {strides = array<i32>} : memref<10240xf32, #tpu.memory_space<vmem>>, vector<16xf32>,
      tpu.vector_store %arg7[%swap3A_28], %broadcast_in_dim3A_1 {strides = array<i32>} : memref<10240xf32, #tpu.memory_space<vmem>>, vector<16xf32>,
    }
    %scan3A_8 = arith.constant 640 : i32
    "tpu.region"() ({
      %run_scoped3A_22 = tpu.sem_alloc : memref<!tpu.dma_semaphore, #tpu.memory_space<semaphore_mem>>
      %dma_start3A = arith.constant 0 : i32
      %dma_start3A_23 = arith.constant 0 : i32
      %dma_start3A_24 = tpu.memref_slice %arg2[%add3A, %dma_start3A, %dma_start3A_23] : memref<32x79x128xi32, #tpu.memory_space<hbm>> -> memref<1x79x128xi32, #tpu.memory_space<hbm>>
      %dma_start3A_25 = tpu.memref_squeeze %dma_start3A_24 : memref<1x79x128xi32, #tpu.memory_space<hbm>> -> memref<79x128xi32, #tpu.memory_space<hbm>>
      %dma_start3A_26 = arith.constant 0 : i32
      %dma_start3A_27 = arith.constant 0 : i32
      %dma_start3A_28 = tpu.memref_slice %arg2[%add3A, %dma_start3A_26, %dma_start3A_27] : memref<32x79x128xi32, #tpu.memory_space<hbm>> -> memref<1x79x128xi32, #tpu.memory_space<hbm>>
      %dma_start3A_29 = tpu.memref_squeeze %dma_start3A_28 : memref<1x79x128xi32, #tpu.memory_space<hbm>> -> memref<79x128xi32, #tpu.memory_space<hbm>>
      tpu.enqueue_dma source(%dma_start3A_29 : memref<79x128xi32, #tpu.memory_space<hbm>>) target(%arg5 : memref<79x128xi32, #tpu.memory_space<vmem>>) target_semaphore(%run_scoped3A_22 : memref<!tpu.dma_semaphore, #tpu.memory_space<semaphore_mem>>)
      %dma_wait3A = arith.constant 0 : i32
      %dma_wait3A_30 = arith.constant 0 : i32
      %dma_wait3A_31 = tpu.memref_slice %arg2[%add3A, %dma_wait3A, %dma_wait3A_30] : memref<32x79x128xi32, #tpu.memory_space<hbm>> -> memref<1x79x128xi32, #tpu.memory_space<hbm>>
      %dma_wait3A_32 = tpu.memref_squeeze %dma_wait3A_31 : memref<1x79x128xi32, #tpu.memory_space<hbm>> -> memref<79x128xi32, #tpu.memory_space<hbm>>
      %dma_wait3A_33 = arith.constant 0 : i32
      %dma_wait3A_34 = arith.constant 0 : i32
      %dma_wait3A_35 = tpu.memref_slice %arg2[%add3A, %dma_wait3A_33, %dma_wait3A_34] : memref<32x79x128xi32, #tpu.memory_space<hbm>> -> memref<1x79x128xi32, #tpu.memory_space<hbm>>
      %dma_wait3A_36 = tpu.memref_squeeze %dma_wait3A_35 : memref<1x79x128xi32, #tpu.memory_space<hbm>> -> memref<79x128xi32, #tpu.memory_space<hbm>>
      tpu.wait_dma2 semaphore(%run_scoped3A_22 : memref<!tpu.dma_semaphore, #tpu.memory_space<semaphore_mem>>) src(%dma_wait3A_36 : memref<79x128xi32, #tpu.memory_space<hbm>>) dst(%arg5 : memref<79x128xi32, #tpu.memory_space<vmem>>)
      tpu.yield
    }) : () -> ()
    %scan3A_9 = arith.constant 0 : i32
    %scan3A_10 = arith.constant 0 : i32
    %scan3A_11 = arith.constant 79 : i32
    %scan3A_12 = arith.addi %scan3A_10, %scan3A_11 : i32
    %scan3A_13 = arith.constant 1 : i32
    scf.for %scan3A_22 = %scan3A_10 to %scan3A_12 step %scan3A_13  : i32 {
      %scan3A_23 = arith.constant 0 : i32
      %scan3A_24 = arith.constant 8 : i32
      %scan3A_25 = arith.addi %scan3A_23, %scan3A_24 : i32
      %scan3A_26 = arith.constant 1 : i32
      scf.for %scan3A_28 = %scan3A_23 to %scan3A_25 step %scan3A_26  : i32 {
        %mul3A_29 = arith.constant 16 : i32
        %mul3A_30 = arith.muli %scan3A_28, %mul3A_29 : i32
        %get3A = arith.index_cast %scan3A_22 : i32 to index
        %get3A_31 = arith.index_cast %mul3A_30 : i32 to index
        %get3A_32 = tpu.vector_load %arg5[%get3A, %get3A_31] {strides = array<i32>} : memref<79x128xi32, #tpu.memory_space<vmem>>, vector<16xi32>,
        tpu.vector_store_idx %arg6[%get3A_32], %broadcast_in_dim3A_3 {add = true} : memref<10240xf32, #tpu.memory_space<vmem>>[vector<16xi32>], vector<16xf32>,
      }
      %scan3A_27 = arith.constant 8 : i32
    }
    %scan3A_14 = arith.constant 79 : i32
    "tpu.region"() ({
      %run_scoped3A_22 = tpu.sem_alloc : memref<!tpu.dma_semaphore, #tpu.memory_space<semaphore_mem>>
      %dma_start3A = arith.constant 0 : i32
      %dma_start3A_23 = arith.constant 0 : i32
      %dma_start3A_24 = tpu.memref_slice %arg3[%add3A, %dma_start3A, %dma_start3A_23] : memref<32x79x128xi32, #tpu.memory_space<hbm>> -> memref<1x79x128xi32, #tpu.memory_space<hbm>>
      %dma_start3A_25 = tpu.memref_squeeze %dma_start3A_24 : memref<1x79x128xi32, #tpu.memory_space<hbm>> -> memref<79x128xi32, #tpu.memory_space<hbm>>
      %dma_start3A_26 = arith.constant 0 : i32
      %dma_start3A_27 = arith.constant 0 : i32
      %dma_start3A_28 = tpu.memref_slice %arg3[%add3A, %dma_start3A_26, %dma_start3A_27] : memref<32x79x128xi32, #tpu.memory_space<hbm>> -> memref<1x79x128xi32, #tpu.memory_space<hbm>>
      %dma_start3A_29 = tpu.memref_squeeze %dma_start3A_28 : memref<1x79x128xi32, #tpu.memory_space<hbm>> -> memref<79x128xi32, #tpu.memory_space<hbm>>
      tpu.enqueue_dma source(%dma_start3A_29 : memref<79x128xi32, #tpu.memory_space<hbm>>) target(%arg5 : memref<79x128xi32, #tpu.memory_space<vmem>>) target_semaphore(%run_scoped3A_22 : memref<!tpu.dma_semaphore, #tpu.memory_space<semaphore_mem>>)
      %dma_wait3A = arith.constant 0 : i32
      %dma_wait3A_30 = arith.constant 0 : i32
      %dma_wait3A_31 = tpu.memref_slice %arg3[%add3A, %dma_wait3A, %dma_wait3A_30] : memref<32x79x128xi32, #tpu.memory_space<hbm>> -> memref<1x79x128xi32, #tpu.memory_space<hbm>>
      %dma_wait3A_32 = tpu.memref_squeeze %dma_wait3A_31 : memref<1x79x128xi32, #tpu.memory_space<hbm>> -> memref<79x128xi32, #tpu.memory_space<hbm>>
      %dma_wait3A_33 = arith.constant 0 : i32
      %dma_wait3A_34 = arith.constant 0 : i32
      %dma_wait3A_35 = tpu.memref_slice %arg3[%add3A, %dma_wait3A_33, %dma_wait3A_34] : memref<32x79x128xi32, #tpu.memory_space<hbm>> -> memref<1x79x128xi32, #tpu.memory_space<hbm>>
      %dma_wait3A_36 = tpu.memref_squeeze %dma_wait3A_35 : memref<1x79x128xi32, #tpu.memory_space<hbm>> -> memref<79x128xi32, #tpu.memory_space<hbm>>
      tpu.wait_dma2 semaphore(%run_scoped3A_22 : memref<!tpu.dma_semaphore, #tpu.memory_space<semaphore_mem>>) src(%dma_wait3A_36 : memref<79x128xi32, #tpu.memory_space<hbm>>) dst(%arg5 : memref<79x128xi32, #tpu.memory_space<vmem>>)
      tpu.yield
    }) : () -> ()
    %scan3A_15 = arith.constant 0 : i32
    %scan3A_16 = arith.constant 0 : i32
    %scan3A_17 = arith.constant 79 : i32
    %scan3A_18 = arith.addi %scan3A_16, %scan3A_17 : i32
    %scan3A_19 = arith.constant 1 : i32
    scf.for %scan3A_22 = %scan3A_16 to %scan3A_18 step %scan3A_19  : i32 {
      %scan3A_23 = arith.constant 0 : i32
      %scan3A_24 = arith.constant 8 : i32
      %scan3A_25 = arith.addi %scan3A_23, %scan3A_24 : i32
      %scan3A_26 = arith.constant 1 : i32
      scf.for %scan3A_28 = %scan3A_23 to %scan3A_25 step %scan3A_26  : i32 {
        %mul3A_29 = arith.constant 16 : i32
        %mul3A_30 = arith.muli %scan3A_28, %mul3A_29 : i32
        %get3A = arith.index_cast %scan3A_22 : i32 to index
        %get3A_31 = arith.index_cast %mul3A_30 : i32 to index
        %get3A_32 = tpu.vector_load %arg5[%get3A, %get3A_31] {strides = array<i32>} : memref<79x128xi32, #tpu.memory_space<vmem>>, vector<16xi32>,
        tpu.vector_store_idx %arg7[%get3A_32], %broadcast_in_dim3A_3 {add = true} : memref<10240xf32, #tpu.memory_space<vmem>>[vector<16xi32>], vector<16xf32>,
      }
      %scan3A_27 = arith.constant 8 : i32
    }
    %scan3A_20 = arith.constant 79 : i32
    %run_scoped3A = arith.constant 0 : i32
    "tpu.region"() ({
      %run_scoped3A_22 = tpu.sem_alloc : memref<!tpu.dma_semaphore, #tpu.memory_space<semaphore_mem>>
      %dma_start3A = arith.constant 0 : i32
      %dma_start3A_23 = tpu.memref_slice %arg4[%run_scoped3A, %add3A, %dma_start3A] : memref<2x32x10240xf32, #tpu.memory_space<hbm>> -> memref<1x1x10240xf32, #tpu.memory_space<hbm>>
      %dma_start3A_24 = tpu.memref_squeeze %dma_start3A_23 : memref<1x1x10240xf32, #tpu.memory_space<hbm>> -> memref<10240xf32, #tpu.memory_space<hbm>>
      %dma_start3A_25 = arith.constant 0 : i32
      %dma_start3A_26 = tpu.memref_slice %arg4[%run_scoped3A, %add3A, %dma_start3A_25] : memref<2x32x10240xf32, #tpu.memory_space<hbm>> -> memref<1x1x10240xf32, #tpu.memory_space<hbm>>
      %dma_start3A_27 = tpu.memref_squeeze %dma_start3A_26 : memref<1x1x10240xf32, #tpu.memory_space<hbm>> -> memref<10240xf32, #tpu.memory_space<hbm>>
      tpu.enqueue_dma source(%arg6 : memref<10240xf32, #tpu.memory_space<vmem>>) target(%dma_start3A_27 : memref<10240xf32, #tpu.memory_space<hbm>>) target_semaphore(%run_scoped3A_22 : memref<!tpu.dma_semaphore, #tpu.memory_space<semaphore_mem>>)
      %dma_wait3A = arith.constant 0 : i32
      %dma_wait3A_28 = tpu.memref_slice %arg4[%run_scoped3A, %add3A, %dma_wait3A] : memref<2x32x10240xf32, #tpu.memory_space<hbm>> -> memref<1x1x10240xf32, #tpu.memory_space<hbm>>
      %dma_wait3A_29 = tpu.memref_squeeze %dma_wait3A_28 : memref<1x1x10240xf32, #tpu.memory_space<hbm>> -> memref<10240xf32, #tpu.memory_space<hbm>>
      %dma_wait3A_30 = arith.constant 0 : i32
      %dma_wait3A_31 = tpu.memref_slice %arg4[%run_scoped3A, %add3A, %dma_wait3A_30] : memref<2x32x10240xf32, #tpu.memory_space<hbm>> -> memref<1x1x10240xf32, #tpu.memory_space<hbm>>
      %dma_wait3A_32 = tpu.memref_squeeze %dma_wait3A_31 : memref<1x1x10240xf32, #tpu.memory_space<hbm>> -> memref<10240xf32, #tpu.memory_space<hbm>>
      tpu.wait_dma2 semaphore(%run_scoped3A_22 : memref<!tpu.dma_semaphore, #tpu.memory_space<semaphore_mem>>) src(%arg6 : memref<10240xf32, #tpu.memory_space<vmem>>) dst(%dma_wait3A_32 : memref<10240xf32, #tpu.memory_space<hbm>>)
      tpu.yield
    }) : () -> ()
    %run_scoped3A_21 = arith.constant 1 : i32
    "tpu.region"() ({
      %run_scoped3A_22 = tpu.sem_alloc : memref<!tpu.dma_semaphore, #tpu.memory_space<semaphore_mem>>
      %dma_start3A = arith.constant 0 : i32
      %dma_start3A_23 = tpu.memref_slice %arg4[%run_scoped3A_21, %add3A, %dma_start3A] : memref<2x32x10240xf32, #tpu.memory_space<hbm>> -> memref<1x1x10240xf32, #tpu.memory_space<hbm>>
      %dma_start3A_24 = tpu.memref_squeeze %dma_start3A_23 : memref<1x1x10240xf32, #tpu.memory_space<hbm>> -> memref<10240xf32, #tpu.memory_space<hbm>>
      %dma_start3A_25 = arith.constant 0 : i32
      %dma_start3A_26 = tpu.memref_slice %arg4[%run_scoped3A_21, %add3A, %dma_start3A_25] : memref<2x32x10240xf32, #tpu.memory_space<hbm>> -> memref<1x1x10240xf32, #tpu.memory_space<hbm>>
      %dma_start3A_27 = tpu.memref_squeeze %dma_start3A_26 : memref<1x1x10240xf32, #tpu.memory_space<hbm>> -> memref<10240xf32, #tpu.memory_space<hbm>>
      tpu.enqueue_dma source(%arg7 : memref<10240xf32, #tpu.memory_space<vmem>>) target(%dma_start3A_27 : memref<10240xf32, #tpu.memory_space<hbm>>) target_semaphore(%run_scoped3A_22 : memref<!tpu.dma_semaphore, #tpu.memory_space<semaphore_mem>>)
      %dma_wait3A = arith.constant 0 : i32
      %dma_wait3A_28 = tpu.memref_slice %arg4[%run_scoped3A_21, %add3A, %dma_wait3A] : memref<2x32x10240xf32, #tpu.memory_space<hbm>> -> memref<1x1x10240xf32, #tpu.memory_space<hbm>>
      %dma_wait3A_29 = tpu.memref_squeeze %dma_wait3A_28 : memref<1x1x10240xf32, #tpu.memory_space<hbm>> -> memref<10240xf32, #tpu.memory_space<hbm>>
      %dma_wait3A_30 = arith.constant 0 : i32
      %dma_wait3A_31 = tpu.memref_slice %arg4[%run_scoped3A_21, %add3A, %dma_wait3A_30] : memref<2x32x10240xf32, #tpu.memory_space<hbm>> -> memref<1x1x10240xf32, #tpu.memory_space<hbm>>
      %dma_wait3A_32 = tpu.memref_squeeze %dma_wait3A_31 : memref<1x1x10240xf32, #tpu.memory_space<hbm>> -> memref<10240xf32, #tpu.memory_space<hbm>>
      tpu.wait_dma2 semaphore(%run_scoped3A_22 : memref<!tpu.dma_semaphore, #tpu.memory_space<semaphore_mem>>) src(%arg7 : memref<10240xf32, #tpu.memory_space<vmem>>) dst(%dma_wait3A_32 : memref<10240xf32, #tpu.memory_space<hbm>>)
      tpu.yield
    }) : () -> ()
    return
  }
}

#map = affine_map<(d0, d1) -> (0, 0)>
#map1 = affine_map<(d0, d1) -> (0, 0, 0)>
module attributes {stable_mosaic.version = 14 : i64} {
  func.func @scatter_kernel(%arg0: i32, %arg1: i32, %arg2: memref<10240x128xf32, #tpu.memory_space<hbm>>, %arg3: memref<32x79x128xi32, #tpu.memory_space<hbm>>, %arg4: memref<32x79x128xi32, #tpu.memory_space<hbm>>, %arg5: memref<10240x128xf32, #tpu.memory_space<hbm>>, %arg6: memref<2x10240x128xf32, #tpu.memory_space<hbm>>, %arg7: memref<79x128xi32, #tpu.memory_space<vmem>>, %arg8: memref<79x128xi32, #tpu.memory_space<vmem>>, %arg9: memref<128x128xf32, #tpu.memory_space<vmem>>, %arg10: memref<10240x128xf32, #tpu.memory_space<vmem_shared>>, %arg11: memref<!tpu.dma_semaphore, #tpu.memory_space<semaphore_mem>>) attributes {dimension_semantics = [#tpu.dimension_semantics<core_parallel>, #tpu.dimension_semantics<subcore_parallel>], iteration_bounds = array<i64: 2, 16>, scalar_prefetch = 0 : i64, scratch_operands = 5 : i64, tpu.core_type = #tpu.core_type<sc_vector_subcore>, window_params = [{transform_indices = #map}, {transform_indices = #map1}, {transform_indices = #map1}, {transform_indices = #map}, {transform_indices = #map1}]} {
    %mul3A = arith.constant 2 : i32
    %mul3A_0 = arith.muli %arg1, %mul3A : i32
    %add3A = arith.addi %mul3A_0, %arg0 : i32
    %mul3A_1 = arith.constant 640 : i32
    %mul3A_2 = arith.muli %arg1, %mul3A_1 : i32
    "tpu.region"() ({
      %run_scoped3A = tpu.sem_alloc : memref<!tpu.dma_semaphore, #tpu.memory_space<semaphore_mem>>
      %dma_start3A = arith.constant 0 : i32
      %dma_start3A_9 = tpu.memref_slice %arg10[%mul3A_2, %dma_start3A] : memref<10240x128xf32, #tpu.memory_space<vmem_shared>> -> memref<640x128xf32, #tpu.memory_space<vmem_shared>>
      %dma_start3A_10 = arith.constant 0 : i32
      %dma_start3A_11 = tpu.memref_slice %arg5[%mul3A_2, %dma_start3A_10] : memref<10240x128xf32, #tpu.memory_space<hbm>> -> memref<640x128xf32, #tpu.memory_space<hbm>>
      tpu.enqueue_dma source(%dma_start3A_11 : memref<640x128xf32, #tpu.memory_space<hbm>>) target(%dma_start3A_9 : memref<640x128xf32, #tpu.memory_space<vmem_shared>>) target_semaphore(%run_scoped3A : memref<!tpu.dma_semaphore, #tpu.memory_space<semaphore_mem>>)
      %dma_wait3A = arith.constant 0 : i32
      %dma_wait3A_12 = tpu.memref_slice %arg10[%mul3A_2, %dma_wait3A] : memref<10240x128xf32, #tpu.memory_space<vmem_shared>> -> memref<640x128xf32, #tpu.memory_space<vmem_shared>>
      %dma_wait3A_13 = arith.constant 0 : i32
      %dma_wait3A_14 = tpu.memref_slice %arg5[%mul3A_2, %dma_wait3A_13] : memref<10240x128xf32, #tpu.memory_space<hbm>> -> memref<640x128xf32, #tpu.memory_space<hbm>>
      tpu.wait_dma2 semaphore(%run_scoped3A : memref<!tpu.dma_semaphore, #tpu.memory_space<semaphore_mem>>) src(%dma_wait3A_14 : memref<640x128xf32, #tpu.memory_space<hbm>>) dst(%dma_wait3A_12 : memref<640x128xf32, #tpu.memory_space<vmem_shared>>)
      tpu.yield
    }) : () -> ()
    "tpu.region"() ({
      %run_scoped3A = tpu.sem_alloc : memref<!tpu.dma_semaphore, #tpu.memory_space<semaphore_mem>>
      %dma_start3A = arith.constant 0 : i32
      %dma_start3A_9 = arith.constant 0 : i32
      %dma_start3A_10 = tpu.memref_slice %arg3[%add3A, %dma_start3A, %dma_start3A_9] : memref<32x79x128xi32, #tpu.memory_space<hbm>> -> memref<1x79x128xi32, #tpu.memory_space<hbm>>
      %dma_start3A_11 = tpu.memref_squeeze %dma_start3A_10 : memref<1x79x128xi32, #tpu.memory_space<hbm>> -> memref<79x128xi32, #tpu.memory_space<hbm>>
      %dma_start3A_12 = arith.constant 0 : i32
      %dma_start3A_13 = arith.constant 0 : i32
      %dma_start3A_14 = tpu.memref_slice %arg3[%add3A, %dma_start3A_12, %dma_start3A_13] : memref<32x79x128xi32, #tpu.memory_space<hbm>> -> memref<1x79x128xi32, #tpu.memory_space<hbm>>
      %dma_start3A_15 = tpu.memref_squeeze %dma_start3A_14 : memref<1x79x128xi32, #tpu.memory_space<hbm>> -> memref<79x128xi32, #tpu.memory_space<hbm>>
      tpu.enqueue_dma source(%dma_start3A_15 : memref<79x128xi32, #tpu.memory_space<hbm>>) target(%arg7 : memref<79x128xi32, #tpu.memory_space<vmem>>) target_semaphore(%run_scoped3A : memref<!tpu.dma_semaphore, #tpu.memory_space<semaphore_mem>>)
      %dma_wait3A = arith.constant 0 : i32
      %dma_wait3A_16 = arith.constant 0 : i32
      %dma_wait3A_17 = tpu.memref_slice %arg3[%add3A, %dma_wait3A, %dma_wait3A_16] : memref<32x79x128xi32, #tpu.memory_space<hbm>> -> memref<1x79x128xi32, #tpu.memory_space<hbm>>
      %dma_wait3A_18 = tpu.memref_squeeze %dma_wait3A_17 : memref<1x79x128xi32, #tpu.memory_space<hbm>> -> memref<79x128xi32, #tpu.memory_space<hbm>>
      %dma_wait3A_19 = arith.constant 0 : i32
      %dma_wait3A_20 = arith.constant 0 : i32
      %dma_wait3A_21 = tpu.memref_slice %arg3[%add3A, %dma_wait3A_19, %dma_wait3A_20] : memref<32x79x128xi32, #tpu.memory_space<hbm>> -> memref<1x79x128xi32, #tpu.memory_space<hbm>>
      %dma_wait3A_22 = tpu.memref_squeeze %dma_wait3A_21 : memref<1x79x128xi32, #tpu.memory_space<hbm>> -> memref<79x128xi32, #tpu.memory_space<hbm>>
      tpu.wait_dma2 semaphore(%run_scoped3A : memref<!tpu.dma_semaphore, #tpu.memory_space<semaphore_mem>>) src(%dma_wait3A_22 : memref<79x128xi32, #tpu.memory_space<hbm>>) dst(%arg7 : memref<79x128xi32, #tpu.memory_space<vmem>>)
      tpu.yield
    }) : () -> ()
    "tpu.region"() ({
      %run_scoped3A = tpu.sem_alloc : memref<!tpu.dma_semaphore, #tpu.memory_space<semaphore_mem>>
      %dma_start3A = arith.constant 0 : i32
      %dma_start3A_9 = arith.constant 0 : i32
      %dma_start3A_10 = tpu.memref_slice %arg4[%add3A, %dma_start3A, %dma_start3A_9] : memref<32x79x128xi32, #tpu.memory_space<hbm>> -> memref<1x79x128xi32, #tpu.memory_space<hbm>>
      %dma_start3A_11 = tpu.memref_squeeze %dma_start3A_10 : memref<1x79x128xi32, #tpu.memory_space<hbm>> -> memref<79x128xi32, #tpu.memory_space<hbm>>
      %dma_start3A_12 = arith.constant 0 : i32
      %dma_start3A_13 = arith.constant 0 : i32
      %dma_start3A_14 = tpu.memref_slice %arg4[%add3A, %dma_start3A_12, %dma_start3A_13] : memref<32x79x128xi32, #tpu.memory_space<hbm>> -> memref<1x79x128xi32, #tpu.memory_space<hbm>>
      %dma_start3A_15 = tpu.memref_squeeze %dma_start3A_14 : memref<1x79x128xi32, #tpu.memory_space<hbm>> -> memref<79x128xi32, #tpu.memory_space<hbm>>
      tpu.enqueue_dma source(%dma_start3A_15 : memref<79x128xi32, #tpu.memory_space<hbm>>) target(%arg8 : memref<79x128xi32, #tpu.memory_space<vmem>>) target_semaphore(%run_scoped3A : memref<!tpu.dma_semaphore, #tpu.memory_space<semaphore_mem>>)
      %dma_wait3A = arith.constant 0 : i32
      %dma_wait3A_16 = arith.constant 0 : i32
      %dma_wait3A_17 = tpu.memref_slice %arg4[%add3A, %dma_wait3A, %dma_wait3A_16] : memref<32x79x128xi32, #tpu.memory_space<hbm>> -> memref<1x79x128xi32, #tpu.memory_space<hbm>>
      %dma_wait3A_18 = tpu.memref_squeeze %dma_wait3A_17 : memref<1x79x128xi32, #tpu.memory_space<hbm>> -> memref<79x128xi32, #tpu.memory_space<hbm>>
      %dma_wait3A_19 = arith.constant 0 : i32
      %dma_wait3A_20 = arith.constant 0 : i32
      %dma_wait3A_21 = tpu.memref_slice %arg4[%add3A, %dma_wait3A_19, %dma_wait3A_20] : memref<32x79x128xi32, #tpu.memory_space<hbm>> -> memref<1x79x128xi32, #tpu.memory_space<hbm>>
      %dma_wait3A_22 = tpu.memref_squeeze %dma_wait3A_21 : memref<1x79x128xi32, #tpu.memory_space<hbm>> -> memref<79x128xi32, #tpu.memory_space<hbm>>
      tpu.wait_dma2 semaphore(%run_scoped3A : memref<!tpu.dma_semaphore, #tpu.memory_space<semaphore_mem>>) src(%dma_wait3A_22 : memref<79x128xi32, #tpu.memory_space<hbm>>) dst(%arg8 : memref<79x128xi32, #tpu.memory_space<vmem>>)
      tpu.yield
    }) : () -> ()
    %barrier3A = arith.constant 0 : index
    tpu.barrier barrier_id(%barrier3A)
    %scan3A = arith.constant 0 : i32
    %scan3A_3 = arith.constant 0 : i32
    %scan3A_4 = arith.constant 79 : i32
    %scan3A_5 = arith.addi %scan3A_3, %scan3A_4 : i32
    %scan3A_6 = arith.constant 1 : i32
    scf.for %scan3A_9 = %scan3A_3 to %scan3A_5 step %scan3A_6  : i32 {
      %dma_start3A = arith.constant 0 : i32
      %dma_start3A_10 = tpu.memref_slice %arg7[%scan3A_9, %dma_start3A] : memref<79x128xi32, #tpu.memory_space<vmem>> -> memref<1x128xi32, #tpu.memory_space<vmem>>
      %dma_start3A_11 = tpu.memref_squeeze %dma_start3A_10 : memref<1x128xi32, #tpu.memory_space<vmem>> -> memref<128xi32, #tpu.memory_space<vmem>>
      %dma_start3A_12 = arith.constant 0 : i32
      %dma_start3A_13 = arith.constant 0 : i32
      %dma_start3A_14 = tpu.memref_slice %arg2[%dma_start3A_12, %dma_start3A_13] : memref<10240x128xf32, #tpu.memory_space<hbm>> -> memref<10240x128xf32, #tpu.memory_space<hbm>>
      tpu.enqueue_indirect_dma source(%dma_start3A_14 : memref<10240x128xf32, #tpu.memory_space<hbm>>) target(%arg9 : memref<128x128xf32, #tpu.memory_space<vmem>>) offsets(%dma_start3A_11 : memref<128xi32, #tpu.memory_space<vmem>>) semaphore(%arg11 : memref<!tpu.dma_semaphore, #tpu.memory_space<semaphore_mem>>)
      %dma_wait3A = arith.constant 0 : i32
      %dma_wait3A_15 = tpu.memref_slice %arg7[%scan3A_9, %dma_wait3A] : memref<79x128xi32, #tpu.memory_space<vmem>> -> memref<1x128xi32, #tpu.memory_space<vmem>>
      %dma_wait3A_16 = tpu.memref_squeeze %dma_wait3A_15 : memref<1x128xi32, #tpu.memory_space<vmem>> -> memref<128xi32, #tpu.memory_space<vmem>>
      %dma_wait3A_17 = arith.constant 0 : i32
      %dma_wait3A_18 = arith.constant 0 : i32
      %dma_wait3A_19 = tpu.memref_slice %arg2[%dma_wait3A_17, %dma_wait3A_18] : memref<10240x128xf32, #tpu.memory_space<hbm>> -> memref<10240x128xf32, #tpu.memory_space<hbm>>
      tpu.wait_indirect_dma semaphore(%arg11 : memref<!tpu.dma_semaphore, #tpu.memory_space<semaphore_mem>>) src(%dma_wait3A_19 : memref<10240x128xf32, #tpu.memory_space<hbm>>) dst(%arg9 : memref<128x128xf32, #tpu.memory_space<vmem>>)
      "tpu.region"() ({
        %run_scoped3A = tpu.sem_alloc : memref<!tpu.dma_semaphore, #tpu.memory_space<semaphore_mem>>
        %dma_start3A_20 = arith.constant 0 : i32
        %dma_start3A_21 = tpu.memref_slice %arg8[%scan3A_9, %dma_start3A_20] : memref<79x128xi32, #tpu.memory_space<vmem>> -> memref<1x128xi32, #tpu.memory_space<vmem>>
        %dma_start3A_22 = tpu.memref_squeeze %dma_start3A_21 : memref<1x128xi32, #tpu.memory_space<vmem>> -> memref<128xi32, #tpu.memory_space<vmem>>
        %dma_start3A_23 = arith.constant 0 : i32
        %dma_start3A_24 = arith.constant 0 : i32
        %dma_start3A_25 = tpu.memref_slice %arg10[%dma_start3A_23, %dma_start3A_24] : memref<10240x128xf32, #tpu.memory_space<vmem_shared>> -> memref<10240x128xf32, #tpu.memory_space<vmem_shared>>
        tpu.enqueue_indirect_dma source(%arg9 : memref<128x128xf32, #tpu.memory_space<vmem>>) target(%dma_start3A_25 : memref<10240x128xf32, #tpu.memory_space<vmem_shared>>) offsets(%dma_start3A_22 : memref<128xi32, #tpu.memory_space<vmem>>) semaphore(%run_scoped3A : memref<!tpu.dma_semaphore, #tpu.memory_space<semaphore_mem>>) {add = true}
        %dma_wait3A_26 = arith.constant 0 : i32
        %dma_wait3A_27 = tpu.memref_slice %arg8[%scan3A_9, %dma_wait3A_26] : memref<79x128xi32, #tpu.memory_space<vmem>> -> memref<1x128xi32, #tpu.memory_space<vmem>>
        %dma_wait3A_28 = tpu.memref_squeeze %dma_wait3A_27 : memref<1x128xi32, #tpu.memory_space<vmem>> -> memref<128xi32, #tpu.memory_space<vmem>>
        %dma_wait3A_29 = arith.constant 0 : i32
        %dma_wait3A_30 = arith.constant 0 : i32
        %dma_wait3A_31 = tpu.memref_slice %arg10[%dma_wait3A_29, %dma_wait3A_30] : memref<10240x128xf32, #tpu.memory_space<vmem_shared>> -> memref<10240x128xf32, #tpu.memory_space<vmem_shared>>
        tpu.wait_indirect_dma semaphore(%run_scoped3A : memref<!tpu.dma_semaphore, #tpu.memory_space<semaphore_mem>>) src(%arg9 : memref<128x128xf32, #tpu.memory_space<vmem>>) dst(%dma_wait3A_31 : memref<10240x128xf32, #tpu.memory_space<vmem_shared>>)
        tpu.yield
      }) : () -> ()
    }
    %scan3A_7 = arith.constant 79 : i32
    %barrier3A_8 = arith.constant 0 : index
    tpu.barrier barrier_id(%barrier3A_8)
    "tpu.region"() ({
      %run_scoped3A = tpu.sem_alloc : memref<!tpu.dma_semaphore, #tpu.memory_space<semaphore_mem>>
      %dma_start3A = arith.constant 0 : i32
      %dma_start3A_9 = tpu.memref_slice %arg6[%arg0, %mul3A_2, %dma_start3A] : memref<2x10240x128xf32, #tpu.memory_space<hbm>> -> memref<1x640x128xf32, #tpu.memory_space<hbm>>
      %dma_start3A_10 = tpu.memref_squeeze %dma_start3A_9 : memref<1x640x128xf32, #tpu.memory_space<hbm>> -> memref<640x128xf32, #tpu.memory_space<hbm>>
      %dma_start3A_11 = arith.constant 0 : i32
      %dma_start3A_12 = tpu.memref_slice %arg10[%mul3A_2, %dma_start3A_11] : memref<10240x128xf32, #tpu.memory_space<vmem_shared>> -> memref<640x128xf32, #tpu.memory_space<vmem_shared>>
      tpu.enqueue_dma source(%dma_start3A_12 : memref<640x128xf32, #tpu.memory_space<vmem_shared>>) target(%dma_start3A_10 : memref<640x128xf32, #tpu.memory_space<hbm>>) target_semaphore(%run_scoped3A : memref<!tpu.dma_semaphore, #tpu.memory_space<semaphore_mem>>)
      %dma_wait3A = arith.constant 0 : i32
      %dma_wait3A_13 = tpu.memref_slice %arg6[%arg0, %mul3A_2, %dma_wait3A] : memref<2x10240x128xf32, #tpu.memory_space<hbm>> -> memref<1x640x128xf32, #tpu.memory_space<hbm>>
      %dma_wait3A_14 = tpu.memref_squeeze %dma_wait3A_13 : memref<1x640x128xf32, #tpu.memory_space<hbm>> -> memref<640x128xf32, #tpu.memory_space<hbm>>
      %dma_wait3A_15 = arith.constant 0 : i32
      %dma_wait3A_16 = tpu.memref_slice %arg10[%mul3A_2, %dma_wait3A_15] : memref<10240x128xf32, #tpu.memory_space<vmem_shared>> -> memref<640x128xf32, #tpu.memory_space<vmem_shared>>
      tpu.wait_dma2 semaphore(%run_scoped3A : memref<!tpu.dma_semaphore, #tpu.memory_space<semaphore_mem>>) src(%dma_wait3A_16 : memref<640x128xf32, #tpu.memory_space<vmem_shared>>) dst(%dma_wait3A_14 : memref<640x128xf32, #tpu.memory_space<hbm>>)
      tpu.yield
    }) : () -> ()
    return
  }
}

#map = affine_map<(d0, d1) -> (0, 0)>
#map1 = affine_map<(d0, d1) -> (0, 0, 0)>
module attributes {stable_mosaic.version = 14 : i64} {
  func.func @scatter_kernel(%arg0: i32, %arg1: i32, %arg2: memref<10240x64xf32, #tpu.memory_space<hbm>>, %arg3: memref<32x79x128xi32, #tpu.memory_space<hbm>>, %arg4: memref<32x79x128xi32, #tpu.memory_space<hbm>>, %arg5: memref<10240x64xf32, #tpu.memory_space<hbm>>, %arg6: memref<2x10240x64xf32, #tpu.memory_space<hbm>>, %arg7: memref<79x128xi32, #tpu.memory_space<vmem>>, %arg8: memref<79x128xi32, #tpu.memory_space<vmem>>, %arg9: memref<128x64xf32, #tpu.memory_space<vmem>>, %arg10: memref<10240x64xf32, #tpu.memory_space<vmem_shared>>, %arg11: memref<!tpu.dma_semaphore, #tpu.memory_space<semaphore_mem>>) attributes {dimension_semantics = [#tpu.dimension_semantics<core_parallel>, #tpu.dimension_semantics<subcore_parallel>], iteration_bounds = array<i64: 2, 16>, scalar_prefetch = 0 : i64, scratch_operands = 5 : i64, tpu.core_type = #tpu.core_type<sc_vector_subcore>, window_params = [{transform_indices = #map}, {transform_indices = #map1}, {transform_indices = #map1}, {transform_indices = #map}, {transform_indices = #map1}]} {
    %mul3A = arith.constant 2 : i32
    %mul3A_0 = arith.muli %arg1, %mul3A : i32
    %add3A = arith.addi %mul3A_0, %arg0 : i32
    %mul3A_1 = arith.constant 640 : i32
    %mul3A_2 = arith.muli %arg1, %mul3A_1 : i32
    "tpu.region"() ({
      %run_scoped3A = tpu.sem_alloc : memref<!tpu.dma_semaphore, #tpu.memory_space<semaphore_mem>>
      %dma_start3A = arith.constant 0 : i32
      %dma_start3A_9 = tpu.memref_slice %arg10[%mul3A_2, %dma_start3A] : memref<10240x64xf32, #tpu.memory_space<vmem_shared>> -> memref<640x64xf32, #tpu.memory_space<vmem_shared>>
      %dma_start3A_10 = arith.constant 0 : i32
      %dma_start3A_11 = tpu.memref_slice %arg5[%mul3A_2, %dma_start3A_10] : memref<10240x64xf32, #tpu.memory_space<hbm>> -> memref<640x64xf32, #tpu.memory_space<hbm>>
      tpu.enqueue_dma source(%dma_start3A_11 : memref<640x64xf32, #tpu.memory_space<hbm>>) target(%dma_start3A_9 : memref<640x64xf32, #tpu.memory_space<vmem_shared>>) target_semaphore(%run_scoped3A : memref<!tpu.dma_semaphore, #tpu.memory_space<semaphore_mem>>)
      %dma_wait3A = arith.constant 0 : i32
      %dma_wait3A_12 = tpu.memref_slice %arg10[%mul3A_2, %dma_wait3A] : memref<10240x64xf32, #tpu.memory_space<vmem_shared>> -> memref<640x64xf32, #tpu.memory_space<vmem_shared>>
      %dma_wait3A_13 = arith.constant 0 : i32
      %dma_wait3A_14 = tpu.memref_slice %arg5[%mul3A_2, %dma_wait3A_13] : memref<10240x64xf32, #tpu.memory_space<hbm>> -> memref<640x64xf32, #tpu.memory_space<hbm>>
      tpu.wait_dma2 semaphore(%run_scoped3A : memref<!tpu.dma_semaphore, #tpu.memory_space<semaphore_mem>>) src(%dma_wait3A_14 : memref<640x64xf32, #tpu.memory_space<hbm>>) dst(%dma_wait3A_12 : memref<640x64xf32, #tpu.memory_space<vmem_shared>>)
      tpu.yield
    }) : () -> ()
    "tpu.region"() ({
      %run_scoped3A = tpu.sem_alloc : memref<!tpu.dma_semaphore, #tpu.memory_space<semaphore_mem>>
      %dma_start3A = arith.constant 0 : i32
      %dma_start3A_9 = arith.constant 0 : i32
      %dma_start3A_10 = tpu.memref_slice %arg3[%add3A, %dma_start3A, %dma_start3A_9] : memref<32x79x128xi32, #tpu.memory_space<hbm>> -> memref<1x79x128xi32, #tpu.memory_space<hbm>>
      %dma_start3A_11 = tpu.memref_squeeze %dma_start3A_10 : memref<1x79x128xi32, #tpu.memory_space<hbm>> -> memref<79x128xi32, #tpu.memory_space<hbm>>
      %dma_start3A_12 = arith.constant 0 : i32
      %dma_start3A_13 = arith.constant 0 : i32
      %dma_start3A_14 = tpu.memref_slice %arg3[%add3A, %dma_start3A_12, %dma_start3A_13] : memref<32x79x128xi32, #tpu.memory_space<hbm>> -> memref<1x79x128xi32, #tpu.memory_space<hbm>>
      %dma_start3A_15 = tpu.memref_squeeze %dma_start3A_14 : memref<1x79x128xi32, #tpu.memory_space<hbm>> -> memref<79x128xi32, #tpu.memory_space<hbm>>
      tpu.enqueue_dma source(%dma_start3A_15 : memref<79x128xi32, #tpu.memory_space<hbm>>) target(%arg7 : memref<79x128xi32, #tpu.memory_space<vmem>>) target_semaphore(%run_scoped3A : memref<!tpu.dma_semaphore, #tpu.memory_space<semaphore_mem>>)
      %dma_wait3A = arith.constant 0 : i32
      %dma_wait3A_16 = arith.constant 0 : i32
      %dma_wait3A_17 = tpu.memref_slice %arg3[%add3A, %dma_wait3A, %dma_wait3A_16] : memref<32x79x128xi32, #tpu.memory_space<hbm>> -> memref<1x79x128xi32, #tpu.memory_space<hbm>>
      %dma_wait3A_18 = tpu.memref_squeeze %dma_wait3A_17 : memref<1x79x128xi32, #tpu.memory_space<hbm>> -> memref<79x128xi32, #tpu.memory_space<hbm>>
      %dma_wait3A_19 = arith.constant 0 : i32
      %dma_wait3A_20 = arith.constant 0 : i32
      %dma_wait3A_21 = tpu.memref_slice %arg3[%add3A, %dma_wait3A_19, %dma_wait3A_20] : memref<32x79x128xi32, #tpu.memory_space<hbm>> -> memref<1x79x128xi32, #tpu.memory_space<hbm>>
      %dma_wait3A_22 = tpu.memref_squeeze %dma_wait3A_21 : memref<1x79x128xi32, #tpu.memory_space<hbm>> -> memref<79x128xi32, #tpu.memory_space<hbm>>
      tpu.wait_dma2 semaphore(%run_scoped3A : memref<!tpu.dma_semaphore, #tpu.memory_space<semaphore_mem>>) src(%dma_wait3A_22 : memref<79x128xi32, #tpu.memory_space<hbm>>) dst(%arg7 : memref<79x128xi32, #tpu.memory_space<vmem>>)
      tpu.yield
    }) : () -> ()
    "tpu.region"() ({
      %run_scoped3A = tpu.sem_alloc : memref<!tpu.dma_semaphore, #tpu.memory_space<semaphore_mem>>
      %dma_start3A = arith.constant 0 : i32
      %dma_start3A_9 = arith.constant 0 : i32
      %dma_start3A_10 = tpu.memref_slice %arg4[%add3A, %dma_start3A, %dma_start3A_9] : memref<32x79x128xi32, #tpu.memory_space<hbm>> -> memref<1x79x128xi32, #tpu.memory_space<hbm>>
      %dma_start3A_11 = tpu.memref_squeeze %dma_start3A_10 : memref<1x79x128xi32, #tpu.memory_space<hbm>> -> memref<79x128xi32, #tpu.memory_space<hbm>>
      %dma_start3A_12 = arith.constant 0 : i32
      %dma_start3A_13 = arith.constant 0 : i32
      %dma_start3A_14 = tpu.memref_slice %arg4[%add3A, %dma_start3A_12, %dma_start3A_13] : memref<32x79x128xi32, #tpu.memory_space<hbm>> -> memref<1x79x128xi32, #tpu.memory_space<hbm>>
      %dma_start3A_15 = tpu.memref_squeeze %dma_start3A_14 : memref<1x79x128xi32, #tpu.memory_space<hbm>> -> memref<79x128xi32, #tpu.memory_space<hbm>>
      tpu.enqueue_dma source(%dma_start3A_15 : memref<79x128xi32, #tpu.memory_space<hbm>>) target(%arg8 : memref<79x128xi32, #tpu.memory_space<vmem>>) target_semaphore(%run_scoped3A : memref<!tpu.dma_semaphore, #tpu.memory_space<semaphore_mem>>)
      %dma_wait3A = arith.constant 0 : i32
      %dma_wait3A_16 = arith.constant 0 : i32
      %dma_wait3A_17 = tpu.memref_slice %arg4[%add3A, %dma_wait3A, %dma_wait3A_16] : memref<32x79x128xi32, #tpu.memory_space<hbm>> -> memref<1x79x128xi32, #tpu.memory_space<hbm>>
      %dma_wait3A_18 = tpu.memref_squeeze %dma_wait3A_17 : memref<1x79x128xi32, #tpu.memory_space<hbm>> -> memref<79x128xi32, #tpu.memory_space<hbm>>
      %dma_wait3A_19 = arith.constant 0 : i32
      %dma_wait3A_20 = arith.constant 0 : i32
      %dma_wait3A_21 = tpu.memref_slice %arg4[%add3A, %dma_wait3A_19, %dma_wait3A_20] : memref<32x79x128xi32, #tpu.memory_space<hbm>> -> memref<1x79x128xi32, #tpu.memory_space<hbm>>
      %dma_wait3A_22 = tpu.memref_squeeze %dma_wait3A_21 : memref<1x79x128xi32, #tpu.memory_space<hbm>> -> memref<79x128xi32, #tpu.memory_space<hbm>>
      tpu.wait_dma2 semaphore(%run_scoped3A : memref<!tpu.dma_semaphore, #tpu.memory_space<semaphore_mem>>) src(%dma_wait3A_22 : memref<79x128xi32, #tpu.memory_space<hbm>>) dst(%arg8 : memref<79x128xi32, #tpu.memory_space<vmem>>)
      tpu.yield
    }) : () -> ()
    %barrier3A = arith.constant 0 : index
    tpu.barrier barrier_id(%barrier3A)
    %scan3A = arith.constant 0 : i32
    %scan3A_3 = arith.constant 0 : i32
    %scan3A_4 = arith.constant 79 : i32
    %scan3A_5 = arith.addi %scan3A_3, %scan3A_4 : i32
    %scan3A_6 = arith.constant 1 : i32
    scf.for %scan3A_9 = %scan3A_3 to %scan3A_5 step %scan3A_6  : i32 {
      %dma_start3A = arith.constant 0 : i32
      %dma_start3A_10 = tpu.memref_slice %arg7[%scan3A_9, %dma_start3A] : memref<79x128xi32, #tpu.memory_space<vmem>> -> memref<1x128xi32, #tpu.memory_space<vmem>>
      %dma_start3A_11 = tpu.memref_squeeze %dma_start3A_10 : memref<1x128xi32, #tpu.memory_space<vmem>> -> memref<128xi32, #tpu.memory_space<vmem>>
      %dma_start3A_12 = arith.constant 0 : i32
      %dma_start3A_13 = arith.constant 0 : i32
      %dma_start3A_14 = tpu.memref_slice %arg2[%dma_start3A_12, %dma_start3A_13] : memref<10240x64xf32, #tpu.memory_space<hbm>> -> memref<10240x64xf32, #tpu.memory_space<hbm>>
      tpu.enqueue_indirect_dma source(%dma_start3A_14 : memref<10240x64xf32, #tpu.memory_space<hbm>>) target(%arg9 : memref<128x64xf32, #tpu.memory_space<vmem>>) offsets(%dma_start3A_11 : memref<128xi32, #tpu.memory_space<vmem>>) semaphore(%arg11 : memref<!tpu.dma_semaphore, #tpu.memory_space<semaphore_mem>>)
      %dma_wait3A = arith.constant 0 : i32
      %dma_wait3A_15 = tpu.memref_slice %arg7[%scan3A_9, %dma_wait3A] : memref<79x128xi32, #tpu.memory_space<vmem>> -> memref<1x128xi32, #tpu.memory_space<vmem>>
      %dma_wait3A_16 = tpu.memref_squeeze %dma_wait3A_15 : memref<1x128xi32, #tpu.memory_space<vmem>> -> memref<128xi32, #tpu.memory_space<vmem>>
      %dma_wait3A_17 = arith.constant 0 : i32
      %dma_wait3A_18 = arith.constant 0 : i32
      %dma_wait3A_19 = tpu.memref_slice %arg2[%dma_wait3A_17, %dma_wait3A_18] : memref<10240x64xf32, #tpu.memory_space<hbm>> -> memref<10240x64xf32, #tpu.memory_space<hbm>>
      tpu.wait_indirect_dma semaphore(%arg11 : memref<!tpu.dma_semaphore, #tpu.memory_space<semaphore_mem>>) src(%dma_wait3A_19 : memref<10240x64xf32, #tpu.memory_space<hbm>>) dst(%arg9 : memref<128x64xf32, #tpu.memory_space<vmem>>)
      "tpu.region"() ({
        %run_scoped3A = tpu.sem_alloc : memref<!tpu.dma_semaphore, #tpu.memory_space<semaphore_mem>>
        %dma_start3A_20 = arith.constant 0 : i32
        %dma_start3A_21 = tpu.memref_slice %arg8[%scan3A_9, %dma_start3A_20] : memref<79x128xi32, #tpu.memory_space<vmem>> -> memref<1x128xi32, #tpu.memory_space<vmem>>
        %dma_start3A_22 = tpu.memref_squeeze %dma_start3A_21 : memref<1x128xi32, #tpu.memory_space<vmem>> -> memref<128xi32, #tpu.memory_space<vmem>>
        %dma_start3A_23 = arith.constant 0 : i32
        %dma_start3A_24 = arith.constant 0 : i32
        %dma_start3A_25 = tpu.memref_slice %arg10[%dma_start3A_23, %dma_start3A_24] : memref<10240x64xf32, #tpu.memory_space<vmem_shared>> -> memref<10240x64xf32, #tpu.memory_space<vmem_shared>>
        tpu.enqueue_indirect_dma source(%arg9 : memref<128x64xf32, #tpu.memory_space<vmem>>) target(%dma_start3A_25 : memref<10240x64xf32, #tpu.memory_space<vmem_shared>>) offsets(%dma_start3A_22 : memref<128xi32, #tpu.memory_space<vmem>>) semaphore(%run_scoped3A : memref<!tpu.dma_semaphore, #tpu.memory_space<semaphore_mem>>) {add = true}
        %dma_wait3A_26 = arith.constant 0 : i32
        %dma_wait3A_27 = tpu.memref_slice %arg8[%scan3A_9, %dma_wait3A_26] : memref<79x128xi32, #tpu.memory_space<vmem>> -> memref<1x128xi32, #tpu.memory_space<vmem>>
        %dma_wait3A_28 = tpu.memref_squeeze %dma_wait3A_27 : memref<1x128xi32, #tpu.memory_space<vmem>> -> memref<128xi32, #tpu.memory_space<vmem>>
        %dma_wait3A_29 = arith.constant 0 : i32
        %dma_wait3A_30 = arith.constant 0 : i32
        %dma_wait3A_31 = tpu.memref_slice %arg10[%dma_wait3A_29, %dma_wait3A_30] : memref<10240x64xf32, #tpu.memory_space<vmem_shared>> -> memref<10240x64xf32, #tpu.memory_space<vmem_shared>>
        tpu.wait_indirect_dma semaphore(%run_scoped3A : memref<!tpu.dma_semaphore, #tpu.memory_space<semaphore_mem>>) src(%arg9 : memref<128x64xf32, #tpu.memory_space<vmem>>) dst(%dma_wait3A_31 : memref<10240x64xf32, #tpu.memory_space<vmem_shared>>)
        tpu.yield
      }) : () -> ()
    }
    %scan3A_7 = arith.constant 79 : i32
    %barrier3A_8 = arith.constant 0 : index
    tpu.barrier barrier_id(%barrier3A_8)
    "tpu.region"() ({
      %run_scoped3A = tpu.sem_alloc : memref<!tpu.dma_semaphore, #tpu.memory_space<semaphore_mem>>
      %dma_start3A = arith.constant 0 : i32
      %dma_start3A_9 = tpu.memref_slice %arg6[%arg0, %mul3A_2, %dma_start3A] : memref<2x10240x64xf32, #tpu.memory_space<hbm>> -> memref<1x640x64xf32, #tpu.memory_space<hbm>>
      %dma_start3A_10 = tpu.memref_squeeze %dma_start3A_9 : memref<1x640x64xf32, #tpu.memory_space<hbm>> -> memref<640x64xf32, #tpu.memory_space<hbm>>
      %dma_start3A_11 = arith.constant 0 : i32
      %dma_start3A_12 = tpu.memref_slice %arg10[%mul3A_2, %dma_start3A_11] : memref<10240x64xf32, #tpu.memory_space<vmem_shared>> -> memref<640x64xf32, #tpu.memory_space<vmem_shared>>
      tpu.enqueue_dma source(%dma_start3A_12 : memref<640x64xf32, #tpu.memory_space<vmem_shared>>) target(%dma_start3A_10 : memref<640x64xf32, #tpu.memory_space<hbm>>) target_semaphore(%run_scoped3A : memref<!tpu.dma_semaphore, #tpu.memory_space<semaphore_mem>>)
      %dma_wait3A = arith.constant 0 : i32
      %dma_wait3A_13 = tpu.memref_slice %arg6[%arg0, %mul3A_2, %dma_wait3A] : memref<2x10240x64xf32, #tpu.memory_space<hbm>> -> memref<1x640x64xf32, #tpu.memory_space<hbm>>
      %dma_wait3A_14 = tpu.memref_squeeze %dma_wait3A_13 : memref<1x640x64xf32, #tpu.memory_space<hbm>> -> memref<640x64xf32, #tpu.memory_space<hbm>>
      %dma_wait3A_15 = arith.constant 0 : i32
      %dma_wait3A_16 = tpu.memref_slice %arg10[%mul3A_2, %dma_wait3A_15] : memref<10240x64xf32, #tpu.memory_space<vmem_shared>> -> memref<640x64xf32, #tpu.memory_space<vmem_shared>>
      tpu.wait_dma2 semaphore(%run_scoped3A : memref<!tpu.dma_semaphore, #tpu.memory_space<semaphore_mem>>) src(%dma_wait3A_16 : memref<640x64xf32, #tpu.memory_space<vmem_shared>>) dst(%dma_wait3A_14 : memref<640x64xf32, #tpu.memory_space<hbm>>)
      tpu.yield
    }) : () -> ()
    return
  }
}

module attributes {stable_mosaic.version = 14 : i64} {
  func.func @body(%arg0: i32, %arg1: memref<256x128xf32, #tpu.memory_space<vmem>>, %arg2: memref<2x32x256xf32, #tpu.memory_space<vmem>>, %arg3: memref<128x128xf32, #tpu.memory_space<vmem>>, %arg4: memref<256x128xf32, #tpu.memory_space<vmem>>, %arg5: memref<256xf32, #tpu.memory_space<vmem>>, %arg6: memref<256xf32, #tpu.memory_space<vmem>>) attributes {dimension_semantics = [#tpu.dimension_semantics<arbitrary>], iteration_bounds = array<i64: 40>, scalar_prefetch = 0 : i64, scratch_operands = 0 : i64, tpu.core_type = #tpu.core_type<tc>, window_params = [{transform_indices = @transform_0, window_bounds = array<i64: 256, 128>}, {transform_indices = @transform_1, window_bounds = array<i64: 2, 32, 256>}, {pipeline_mode = #tpu.pipeline_mode<synchronous>, transform_indices = @transform_2, window_bounds = array<i64: 128, 128>}, {transform_indices = @transform_3, window_bounds = array<i64: 256, 128>}, {transform_indices = @transform_4, window_bounds = array<i64: 256>}, {transform_indices = @transform_5, window_bounds = array<i64: 256>}]} {
    %get3A = arith.constant 0 : index
    %get3A_0 = arith.constant 0 : index
    %get3A_1 = arith.constant 0 : index
    %get3A_2 = vector.load %arg2[%get3A, %get3A_0, %get3A_1] : memref<2x32x256xf32, #tpu.memory_space<vmem>>, vector<2x32x256xf32>
    %reduce_sum3A = arith.constant dense<0.000000e+00> : vector<2x256xf32>
    %reduce_sum3A_3 = vector.multi_reduction <add>, %get3A_2, %reduce_sum3A [1] : vector<2x32x256xf32> to vector<2x256xf32>
    %slice3A = vector.extract_strided_slice %reduce_sum3A_3 {offsets = [0, 0], sizes = [1, 256], strides = [1, 1]} : vector<2x256xf32> to vector<1x256xf32>
    %squeeze3A = vector.shape_cast %slice3A : vector<1x256xf32> to vector<256xf32>
    %max3A = arith.constant 1.000000e+00 : f32
    %max3A_4 = vector.broadcast %max3A : f32 to vector<256xf32>
    %max3A_5 = arith.maximumf %squeeze3A, %max3A_4 : vector<256xf32>
    %rsqrt3A = math.rsqrt %max3A_5 : vector<256xf32>
    %slice3A_6 = vector.extract_strided_slice %reduce_sum3A_3 {offsets = [1, 0], sizes = [1, 256], strides = [1, 1]} : vector<2x256xf32> to vector<1x256xf32>
    %squeeze3A_7 = vector.shape_cast %slice3A_6 : vector<1x256xf32> to vector<256xf32>
    %max3A_8 = arith.constant 1.000000e+00 : f32
    %max3A_9 = vector.broadcast %max3A_8 : f32 to vector<256xf32>
    %max3A_10 = arith.maximumf %squeeze3A_7, %max3A_9 : vector<256xf32>
    %rsqrt3A_11 = math.rsqrt %max3A_10 : vector<256xf32>
    %get3A_12 = arith.constant 0 : index
    %get3A_13 = arith.constant 0 : index
    %get3A_14 = vector.load %arg1[%get3A_12, %get3A_13] : memref<256x128xf32, #tpu.memory_space<vmem>>, vector<256x128xf32>
    %broadcast_in_dim3A = vector.shape_cast %rsqrt3A : vector<256xf32> to vector<256x1xf32>
    %mul3A = vector.broadcast %broadcast_in_dim3A : vector<256x1xf32> to vector<256x128xf32>
    %mul3A_15 = arith.mulf %get3A_14, %mul3A : vector<256x128xf32>
    %get3A_16 = arith.constant 0 : index
    %get3A_17 = arith.constant 0 : index
    %get3A_18 = vector.load %arg3[%get3A_16, %get3A_17] : memref<128x128xf32, #tpu.memory_space<vmem>>, vector<128x128xf32>
    %dot_general3A = arith.constant dense<0.000000e+00> : vector<256x128xf32>
    %dot_general3A_19 = tpu.matmul %mul3A_15, %get3A_18, %dot_general3A {dimension_numbers = #tpu.dot_dimension_numbers<[1], [0], [0], [1], [0, 0, 1, 1], [], []>, transpose_lhs_hint = false} : vector<256x128xf32>, vector<128x128xf32>, vector<256x128xf32> -> vector<256x128xf32>
    %swap3A = arith.constant 0 : index
    %swap3A_20 = arith.constant 0 : index
    %swap3A_21 = vector.load %arg4[%swap3A, %swap3A_20] : memref<256x128xf32, #tpu.memory_space<vmem>>, vector<256x128xf32>
    tpu.vector_store %arg4[%swap3A, %swap3A_20], %dot_general3A_19 {strides = array<i32>} : memref<256x128xf32, #tpu.memory_space<vmem>>, vector<256x128xf32>,
    %swap3A_22 = arith.constant 0 : index
    %swap3A_23 = vector.load %arg5[%swap3A_22] : memref<256xf32, #tpu.memory_space<vmem>>, vector<256xf32>
    tpu.vector_store %arg5[%swap3A_22], %rsqrt3A {strides = array<i32>} : memref<256xf32, #tpu.memory_space<vmem>>, vector<256xf32>,
    %swap3A_24 = arith.constant 0 : index
    %swap3A_25 = vector.load %arg6[%swap3A_24] : memref<256xf32, #tpu.memory_space<vmem>>, vector<256xf32>
    tpu.vector_store %arg6[%swap3A_24], %rsqrt3A_11 {strides = array<i32>} : memref<256xf32, #tpu.memory_space<vmem>>, vector<256xf32>,
    return
  }
  func.func @transform_0(%arg0: i32) -> (i32, i32) {
    %c0_i32 = arith.constant 0 : i32
    %c0_i32_0 = arith.constant 0 : i32
    return %arg0, %c0_i32 : i32, i32
  }
  func.func @transform_1(%arg0: i32) -> (i32, i32, i32) {
    %c0_i32 = arith.constant 0 : i32
    %c0_i32_0 = arith.constant 0 : i32
    %c0_i32_1 = arith.constant 0 : i32
    return %c0_i32, %c0_i32_0, %arg0 : i32, i32, i32
  }
  func.func @transform_2(%arg0: i32) -> (i32, i32) {
    %c0_i32 = arith.constant 0 : i32
    %c0_i32_0 = arith.constant 0 : i32
    %c0_i32_1 = arith.constant 0 : i32
    return %c0_i32, %c0_i32_0 : i32, i32
  }
  func.func @transform_3(%arg0: i32) -> (i32, i32) {
    %c0_i32 = arith.constant 0 : i32
    %c0_i32_0 = arith.constant 0 : i32
    return %arg0, %c0_i32 : i32, i32
  }
  func.func @transform_4(%arg0: i32) -> i32 {
    %c0_i32 = arith.constant 0 : i32
    return %arg0 : i32
  }
  func.func @transform_5(%arg0: i32) -> i32 {
    %c0_i32 = arith.constant 0 : i32
    return %arg0 : i32
  }
}

module attributes {stable_mosaic.version = 14 : i64} {
  func.func @body(%arg0: i32, %arg1: memref<2x256x128xf32, #tpu.memory_space<vmem>>, %arg2: memref<256xf32, #tpu.memory_space<vmem>>, %arg3: memref<256xf32, #tpu.memory_space<vmem>>, %arg4: memref<128xf32, #tpu.memory_space<vmem>>, %arg5: memref<128x64xf32, #tpu.memory_space<vmem>>, %arg6: memref<256x64xf32, #tpu.memory_space<vmem>>) attributes {dimension_semantics = [#tpu.dimension_semantics<arbitrary>], iteration_bounds = array<i64: 40>, scalar_prefetch = 0 : i64, scratch_operands = 0 : i64, tpu.core_type = #tpu.core_type<tc>, window_params = [{transform_indices = @transform_0, window_bounds = array<i64: 2, 256, 128>}, {transform_indices = @transform_1, window_bounds = array<i64: 256>}, {transform_indices = @transform_2, window_bounds = array<i64: 256>}, {pipeline_mode = #tpu.pipeline_mode<synchronous>, transform_indices = @transform_3, window_bounds = array<i64: 128>}, {pipeline_mode = #tpu.pipeline_mode<synchronous>, transform_indices = @transform_4, window_bounds = array<i64: 128, 64>}, {transform_indices = @transform_5, window_bounds = array<i64: 256, 64>}]} {
    %get3A = arith.constant 0 : index
    %get3A_0 = arith.constant 0 : index
    %get3A_1 = arith.constant 0 : index
    %get3A_2 = vector.load %arg1[%get3A, %get3A_0, %get3A_1] : memref<2x256x128xf32, #tpu.memory_space<vmem>>, vector<1x256x128xf32>
    %get3A_3 = vector.shape_cast %get3A_2 : vector<1x256x128xf32> to vector<256x128xf32>
    %get3A_4 = arith.constant 1 : index
    %get3A_5 = arith.constant 0 : index
    %get3A_6 = arith.constant 0 : index
    %get3A_7 = vector.load %arg1[%get3A_4, %get3A_5, %get3A_6] : memref<2x256x128xf32, #tpu.memory_space<vmem>>, vector<1x256x128xf32>
    %get3A_8 = vector.shape_cast %get3A_7 : vector<1x256x128xf32> to vector<256x128xf32>
    %add3A = arith.addf %get3A_3, %get3A_8 : vector<256x128xf32>
    %get3A_9 = arith.constant 0 : index
    %get3A_10 = vector.load %arg3[%get3A_9] : memref<256xf32, #tpu.memory_space<vmem>>, vector<256xf32>
    %broadcast_in_dim3A = vector.shape_cast %get3A_10 : vector<256xf32> to vector<256x1xf32>
    %mul3A = vector.broadcast %broadcast_in_dim3A : vector<256x1xf32> to vector<256x128xf32>
    %mul3A_11 = arith.mulf %add3A, %mul3A : vector<256x128xf32>
    %get3A_12 = arith.constant 0 : index
    %get3A_13 = vector.load %arg4[%get3A_12] : memref<128xf32, #tpu.memory_space<vmem>>, vector<128xf32>
    %broadcast_in_dim3A_14 = vector.shape_cast %get3A_13 : vector<128xf32> to vector<1x128xf32>
    %add3A_15 = vector.broadcast %broadcast_in_dim3A_14 : vector<1x128xf32> to vector<256x128xf32>
    %add3A_16 = arith.addf %mul3A_11, %add3A_15 : vector<256x128xf32>
    %max3A = arith.constant 0.000000e+00 : f32
    %max3A_17 = vector.broadcast %max3A : f32 to vector<256x128xf32>
    %max3A_18 = arith.maximumf %add3A_16, %max3A_17 : vector<256x128xf32>
    %get3A_19 = arith.constant 0 : index
    %get3A_20 = vector.load %arg2[%get3A_19] : memref<256xf32, #tpu.memory_space<vmem>>, vector<256xf32>
    %broadcast_in_dim3A_21 = vector.shape_cast %get3A_20 : vector<256xf32> to vector<256x1xf32>
    %mul3A_22 = vector.broadcast %broadcast_in_dim3A_21 : vector<256x1xf32> to vector<256x128xf32>
    %mul3A_23 = arith.mulf %max3A_18, %mul3A_22 : vector<256x128xf32>
    %get3A_24 = arith.constant 0 : index
    %get3A_25 = arith.constant 0 : index
    %get3A_26 = vector.load %arg5[%get3A_24, %get3A_25] : memref<128x64xf32, #tpu.memory_space<vmem>>, vector<128x64xf32>
    %dot_general3A = arith.constant dense<0.000000e+00> : vector<256x64xf32>
    %dot_general3A_27 = tpu.matmul %mul3A_23, %get3A_26, %dot_general3A {dimension_numbers = #tpu.dot_dimension_numbers<[1], [0], [0], [1], [0, 0, 1, 1], [], []>, transpose_lhs_hint = false} : vector<256x128xf32>, vector<128x64xf32>, vector<256x64xf32> -> vector<256x64xf32>
    %swap3A = arith.constant 0 : index
    %swap3A_28 = arith.constant 0 : index
    %swap3A_29 = vector.load %arg6[%swap3A, %swap3A_28] : memref<256x64xf32, #tpu.memory_space<vmem>>, vector<256x64xf32>
    tpu.vector_store %arg6[%swap3A, %swap3A_28], %dot_general3A_27 {strides = array<i32>} : memref<256x64xf32, #tpu.memory_space<vmem>>, vector<256x64xf32>,
    return
  }
  func.func @transform_0(%arg0: i32) -> (i32, i32, i32) {
    %c0_i32 = arith.constant 0 : i32
    %c0_i32_0 = arith.constant 0 : i32
    %c0_i32_1 = arith.constant 0 : i32
    return %c0_i32, %arg0, %c0_i32_0 : i32, i32, i32
  }
  func.func @transform_1(%arg0: i32) -> i32 {
    %c0_i32 = arith.constant 0 : i32
    return %arg0 : i32
  }
  func.func @transform_2(%arg0: i32) -> i32 {
    %c0_i32 = arith.constant 0 : i32
    return %arg0 : i32
  }
  func.func @transform_3(%arg0: i32) -> i32 {
    %c0_i32 = arith.constant 0 : i32
    %c0_i32_0 = arith.constant 0 : i32
    return %c0_i32 : i32
  }
  func.func @transform_4(%arg0: i32) -> (i32, i32) {
    %c0_i32 = arith.constant 0 : i32
    %c0_i32_0 = arith.constant 0 : i32
    %c0_i32_1 = arith.constant 0 : i32
    return %c0_i32, %c0_i32_0 : i32, i32
  }
  func.func @transform_5(%arg0: i32) -> (i32, i32) {
    %c0_i32 = arith.constant 0 : i32
    %c0_i32_0 = arith.constant 0 : i32
    return %arg0, %c0_i32 : i32, i32
  }
}

module attributes {stable_mosaic.version = 14 : i64} {
  func.func @body(%arg0: i32, %arg1: i32, %arg2: memref<2x1024x64xf32, #tpu.memory_space<vmem>>, %arg3: memref<2x1024x64xf32, #tpu.memory_space<vmem>>, %arg4: memref<1024xf32, #tpu.memory_space<vmem>>, %arg5: memref<1024xf32, #tpu.memory_space<vmem>>, %arg6: memref<64xf32, #tpu.memory_space<vmem>>, %arg7: memref<1024x1024xf32, #tpu.memory_space<vmem>>) attributes {dimension_semantics = [#tpu.dimension_semantics<arbitrary>, #tpu.dimension_semantics<arbitrary>], iteration_bounds = array<i64: 10, 10>, scalar_prefetch = 0 : i64, scratch_operands = 0 : i64, tpu.core_type = #tpu.core_type<tc>, window_params = [{transform_indices = @transform_0, window_bounds = array<i64: 2, 1024, 64>}, {transform_indices = @transform_1, window_bounds = array<i64: 2, 1024, 64>}, {transform_indices = @transform_2, window_bounds = array<i64: 1024>}, {transform_indices = @transform_3, window_bounds = array<i64: 1024>}, {pipeline_mode = #tpu.pipeline_mode<synchronous>, transform_indices = @transform_4, window_bounds = array<i64: 64>}, {transform_indices = @transform_5, window_bounds = array<i64: 1024, 1024>}]} {
    %get3A = arith.constant 0 : index
    %get3A_0 = vector.load %arg6[%get3A] : memref<64xf32, #tpu.memory_space<vmem>>, vector<64xf32>
    %broadcast_in_dim3A = vector.shape_cast %get3A_0 : vector<64xf32> to vector<1x64xf32>
    %get3A_1 = arith.constant 0 : index
    %get3A_2 = arith.constant 0 : index
    %get3A_3 = arith.constant 0 : index
    %get3A_4 = vector.load %arg2[%get3A_1, %get3A_2, %get3A_3] : memref<2x1024x64xf32, #tpu.memory_space<vmem>>, vector<1x1024x64xf32>
    %get3A_5 = vector.shape_cast %get3A_4 : vector<1x1024x64xf32> to vector<1024x64xf32>
    %get3A_6 = arith.constant 1 : index
    %get3A_7 = arith.constant 0 : index
    %get3A_8 = arith.constant 0 : index
    %get3A_9 = vector.load %arg2[%get3A_6, %get3A_7, %get3A_8] : memref<2x1024x64xf32, #tpu.memory_space<vmem>>, vector<1x1024x64xf32>
    %get3A_10 = vector.shape_cast %get3A_9 : vector<1x1024x64xf32> to vector<1024x64xf32>
    %add3A = arith.addf %get3A_5, %get3A_10 : vector<1024x64xf32>
    %get3A_11 = arith.constant 0 : index
    %get3A_12 = vector.load %arg4[%get3A_11] : memref<1024xf32, #tpu.memory_space<vmem>>, vector<1024xf32>
    %broadcast_in_dim3A_13 = vector.shape_cast %get3A_12 : vector<1024xf32> to vector<1024x1xf32>
    %mul3A = vector.broadcast %broadcast_in_dim3A_13 : vector<1024x1xf32> to vector<1024x64xf32>
    %mul3A_14 = arith.mulf %add3A, %mul3A : vector<1024x64xf32>
    %add3A_15 = vector.broadcast %broadcast_in_dim3A : vector<1x64xf32> to vector<1024x64xf32>
    %add3A_16 = arith.addf %mul3A_14, %add3A_15 : vector<1024x64xf32>
    %max3A = arith.constant 0.000000e+00 : f32
    %max3A_17 = vector.broadcast %max3A : f32 to vector<1024x64xf32>
    %max3A_18 = arith.maximumf %add3A_16, %max3A_17 : vector<1024x64xf32>
    %get3A_19 = arith.constant 0 : index
    %get3A_20 = arith.constant 0 : index
    %get3A_21 = arith.constant 0 : index
    %get3A_22 = vector.load %arg3[%get3A_19, %get3A_20, %get3A_21] : memref<2x1024x64xf32, #tpu.memory_space<vmem>>, vector<1x1024x64xf32>
    %get3A_23 = vector.shape_cast %get3A_22 : vector<1x1024x64xf32> to vector<1024x64xf32>
    %get3A_24 = arith.constant 1 : index
    %get3A_25 = arith.constant 0 : index
    %get3A_26 = arith.constant 0 : index
    %get3A_27 = vector.load %arg3[%get3A_24, %get3A_25, %get3A_26] : memref<2x1024x64xf32, #tpu.memory_space<vmem>>, vector<1x1024x64xf32>
    %get3A_28 = vector.shape_cast %get3A_27 : vector<1x1024x64xf32> to vector<1024x64xf32>
    %add3A_29 = arith.addf %get3A_23, %get3A_28 : vector<1024x64xf32>
    %get3A_30 = arith.constant 0 : index
    %get3A_31 = vector.load %arg5[%get3A_30] : memref<1024xf32, #tpu.memory_space<vmem>>, vector<1024xf32>
    %broadcast_in_dim3A_32 = vector.shape_cast %get3A_31 : vector<1024xf32> to vector<1024x1xf32>
    %mul3A_33 = vector.broadcast %broadcast_in_dim3A_32 : vector<1024x1xf32> to vector<1024x64xf32>
    %mul3A_34 = arith.mulf %add3A_29, %mul3A_33 : vector<1024x64xf32>
    %add3A_35 = vector.broadcast %broadcast_in_dim3A : vector<1x64xf32> to vector<1024x64xf32>
    %add3A_36 = arith.addf %mul3A_34, %add3A_35 : vector<1024x64xf32>
    %max3A_37 = arith.constant 0.000000e+00 : f32
    %max3A_38 = vector.broadcast %max3A_37 : f32 to vector<1024x64xf32>
    %max3A_39 = arith.maximumf %add3A_36, %max3A_38 : vector<1024x64xf32>
    %dot_general3A = arith.constant dense<0.000000e+00> : vector<1024x1024xf32>
    %dot_general3A_40 = tpu.matmul %max3A_18, %max3A_39, %dot_general3A {dimension_numbers = #tpu.dot_dimension_numbers<[1], [1], [0], [0], [0, 0, 1, 0], [], []>, transpose_lhs_hint = false} : vector<1024x64xf32>, vector<1024x64xf32>, vector<1024x1024xf32> -> vector<1024x1024xf32>
    %logistic3A = arith.negf %dot_general3A_40 : vector<1024x1024xf32>
    %logistic3A_41 = math.exp %logistic3A : vector<1024x1024xf32>
    %logistic3A_42 = arith.constant 1.000000e+00 : f32
    %logistic3A_43 = vector.broadcast %logistic3A_42 : f32 to vector<1024x1024xf32>
    %logistic3A_44 = arith.addf %logistic3A_43, %logistic3A_41 : vector<1024x1024xf32>
    %logistic3A_45 = arith.divf %logistic3A_43, %logistic3A_44 : vector<1024x1024xf32>
    %swap3A = arith.constant 0 : index
    %swap3A_46 = arith.constant 0 : index
    %swap3A_47 = vector.load %arg7[%swap3A, %swap3A_46] : memref<1024x1024xf32, #tpu.memory_space<vmem>>, vector<1024x1024xf32>
    tpu.vector_store %arg7[%swap3A, %swap3A_46], %logistic3A_45 {strides = array<i32>} : memref<1024x1024xf32, #tpu.memory_space<vmem>>, vector<1024x1024xf32>,
    return
  }
  func.func @transform_0(%arg0: i32, %arg1: i32) -> (i32, i32, i32) {
    %c0_i32 = arith.constant 0 : i32
    %c0_i32_0 = arith.constant 0 : i32
    %c0_i32_1 = arith.constant 0 : i32
    return %c0_i32, %arg0, %c0_i32_0 : i32, i32, i32
  }
  func.func @transform_1(%arg0: i32, %arg1: i32) -> (i32, i32, i32) {
    %c0_i32 = arith.constant 0 : i32
    %c0_i32_0 = arith.constant 0 : i32
    %c0_i32_1 = arith.constant 0 : i32
    return %c0_i32, %arg1, %c0_i32_0 : i32, i32, i32
  }
  func.func @transform_2(%arg0: i32, %arg1: i32) -> i32 {
    %c0_i32 = arith.constant 0 : i32
    return %arg0 : i32
  }
  func.func @transform_3(%arg0: i32, %arg1: i32) -> i32 {
    %c0_i32 = arith.constant 0 : i32
    return %arg1 : i32
  }
  func.func @transform_4(%arg0: i32, %arg1: i32) -> i32 {
    %c0_i32 = arith.constant 0 : i32
    %c0_i32_0 = arith.constant 0 : i32
    return %c0_i32 : i32
  }
  func.func @transform_5(%arg0: i32, %arg1: i32) -> (i32, i32) {
    %c0_i32 = arith.constant 0 : i32
    return %arg0, %arg1 : i32, i32
  }
}

</mosaic_0001>

<sc_bundles>
// kernel: kernel.11.cloned.1.call-start
scs
__scs_entry_jumppad:
0x0: {  	(pc) =	sbr.rel $0x88, $3  }
0x1: {  	(tag) =	ssettag $0x0;
	lr =	simm.s32 $0x1  }
0x2: {  	[smem:$0x3F9B] =	sst lr;
	_ =	strace $0xD0000000  }
0x3: {  	_ = 	snop  }
0x4: {  	_ = 	snop  }
0x5: {  	_ = 	snop  }
0x6: {  	_ = 	snop  }
0x7: {  	_ = 	snop  }
__scs_overlays_trampoline_lowered:
0x8: {  	[smem:$0x3FAA] =	sst s0  }
0x9: {  	[smem:$0x3FAB] =	sst s1  }
0xa: {  	[smem:$0x3FAC] =	sst s2  }
0xb: {  	[smem:$0x3FAD] =	sst s3  }
0xc: {  	[smem:$0x3FAE] =	sst s4  }
0xd: {  	[smem:$0x3FAF] =	sst s5  }
0xe: {  	[smem:$0x3FB0] =	sst s6  }
0xf: {  	[smem:$0x3FB1] =	sst s7  }
0x10: {  	[smem:$0x3FB2] =	sst s8  }
0x11: {  	[smem:$0x3FB3] =	sst s9;
	s0 =	simm.s32 @!p0 $0x0  }
0x12: {  	s1 =	sld [smem:$0x3F99];
	s0 =	simm.s32 @p0 $0x1  }
0x13: {  	[smem:$0x3FB4] =	sst s0;
	s0 =	simm.s32 @!p1 $0x0  }
0x14: {  	s2 =	sld [smem:$0x3F98];
	s0 =	simm.s32 @p1 $0x1  }
0x15: {  	[smem:$0x3FB5] =	sst s0;
	s0 =	simm.s32 @!p2 $0x0  }
0x16: {  	s3 =	sld [smem:$0x3FDB];
	s0 =	simm.s32 @p2 $0x1  }
0x17: {  	s4 =	simm.s32 $0x1BF5;
	[smem:$0x3FB7] =	sst s0  }
0x18: {  	s0 =	sld [smem:$0x3F9A];
	_ =	swait.ge [sflag:s4], $0x0  }
0x19: {  	s7 =	sld [smem:$0x3F9B]  }
0x1a: {  	s8 =	sadd.s32 $0xFFFFE003, lr  }
0x1b: {  	s9 =	sadd.s32 $0xFFFFFEF7, lr;
	s5 =	simm.s32 $0xFFFFFFFF;
	p2 =	slt.u32 s8, $0xFFFFF086  }
0x1c: {  	p1 =	slt.u32 s9, $0xF7A;
	s5 =	simm.s32 @!p2 $0x0  }
0x1d: {  	s5 =	simm.s32 @p1 $0x1;
	p0 =	seq.s32 s7, s2  }
0x1e: {  	s7 =	smul.u32 @!p0 $0xF7A, s2;
	p2 =	seq.s32 @!p0 s5, $0x0  }
0x1f: {  	s9 =	smul.u32 $0xF7A, s1;
	s8 =	simm.s32 @!p0 $0x1BF5;
	p2 =	por !p2, p0  }
0x20: {  	[sflag:s8] =	ssyncset.s32 @!p0 $0xFFFFF086;
	s6 =	sadd.s32 @!p0 s3, s7;
	s7 =	simm.s32 @!p0 $0x108  }
0x21: {  	s3 =	sadd.s32 s3, s9;
	s6 =	sadd.s32 @!p0 $0x88, s6;
	s7 =	simm.s32 @p2 $0x1082  }
0x22: {  	[simem:s7], [sflag:s8] =	dma.local @!p0 [hbm:s6], $0xF7A  }
0x23: {  	s9 =	sor.u32 $0xD0000000, s2;
	s6 =	simm.s32 $0x108;
	_ =	swait.ge @!p0 [sflag:s8], $0x0  }
0x24: {  	s3 =	sadd.s32 $0x88, s3;
	s6 =	simm.s32 @!p1 $0x1082;
	[sflag:s4] =	ssyncset.s32 $0xFFFFF086  }
0x25: {  	[simem:s6], [sflag:s4] =	dma.local [hbm:s3], $0xF7A  }
0x26: {  	[smem:$0x3F9B] =	sst s1;
	(tag) =	ssettag s2;
	_ =	strace s9  }
0x27: {  	s1 =	sld [smem:$0x3FAB]  }
0x28: {  	s2 =	sld [smem:$0x3FAC]  }
0x29: {  	s4 =	sld [smem:$0x3FAE]  }
0x2a: {  	p0 =	seq.s32 s5, $0x0;
	s5 =	sld [smem:$0x3FAF]  }
0x2b: {  	s6 =	sld [smem:$0x3FB0]  }
0x2c: {  	s7 =	sld [smem:$0x3FB1]  }
0x2d: {  	s3 =	simm.s32 $0x108;
	s8 =	sld [smem:$0x3FB2]  }
0x2e: {  	s3 =	simm.s32 @!p0 $0x1082;
	s9 =	sld [smem:$0x3FB3]  }
0x2f: {  	lr =	sadd.s32 s0, s3;
	s0 =	sld [smem:$0x3FAA]  }
0x30: {  	s3 =	sld [smem:$0x3FAD]  }
0x31: {  	[smem:$0x3FB6] =	sst s10  }
0x32: {  	s10 =	sld [smem:$0x3FB4];
	_ =	sdelay $0x3  }
0x33: {  	p0 =	seq.s32 s10, $0x1;
	s10 =	sld [smem:$0x3FB6];
	_ =	sdelay $0x3  }
0x34: {  	[smem:$0x3FB6] =	sst s10  }
0x35: {  	s10 =	sld [smem:$0x3FB5];
	_ =	sdelay $0x3  }
0x36: {  	p1 =	seq.s32 s10, $0x1;
	s10 =	sld [smem:$0x3FB6];
	_ =	sdelay $0x3  }
0x37: {  	[smem:$0x3FB6] =	sst s10  }
0x38: {  	s10 =	sld [smem:$0x3FB7]  }
0x39: {  	_ = 	snop;
	(pc) =	sbr.ind lr, $3  }
0x3a: {  	_ = 	snop  }
0x3b: {  	_ = 	snop  }
0x3c: {  	p2 =	seq.s32 s10, $0x1;
	s10 =	sld [smem:$0x3FB6]  }
0x3d: {  	_ =	shalt  }
0x3e: {  	_ =	shalt  }
0x3f: {  	_ =	shalt  }
0x40: {  	_ =	shalt  }
0x41: {  	_ =	shalt  }
0x42: {  	_ =	shalt  }
0x43: {  	_ =	shalt  }
0x44: {  	_ =	shalt  }
0x45: {  	_ =	shalt  }
0x46: {  	_ =	shalt  }
0x47: {  	_ =	shalt  }
0x48: {  	_ =	shalt  }
0x49: {  	_ =	shalt  }
0x4a: {  	_ =	shalt  }
0x4b: {  	_ =	shalt  }
0x4c: {  	_ =	shalt  }
0x4d: {  	_ =	shalt  }
0x4e: {  	_ =	shalt  }
0x4f: {  	_ =	shalt  }
0x50: {  	_ =	shalt  }
0x51: {  	_ =	shalt  }
0x52: {  	_ =	shalt  }
0x53: {  	_ =	shalt  }
0x54: {  	_ =	shalt  }
0x55: {  	_ =	shalt  }
0x56: {  	_ =	shalt  }
0x57: {  	_ =	shalt  }
0x58: {  	_ =	shalt  }
0x59: {  	_ =	shalt  }
0x5a: {  	_ =	shalt  }
0x5b: {  	_ =	shalt  }
0x5c: {  	_ =	shalt  }
0x5d: {  	_ =	shalt  }
0x5e: {  	_ =	shalt  }
0x5f: {  	_ =	shalt  }
0x60: {  	_ =	shalt  }
0x61: {  	_ =	shalt  }
0x62: {  	_ =	shalt  }
0x63: {  	_ =	shalt  }
0x64: {  	_ =	shalt  }
0x65: {  	_ =	shalt  }
0x66: {  	_ =	shalt  }
0x67: {  	_ =	shalt  }
0x68: {  	_ =	shalt  }
0x69: {  	_ =	shalt  }
0x6a: {  	_ =	shalt  }
0x6b: {  	_ =	shalt  }
0x6c: {  	_ =	shalt  }
0x6d: {  	_ =	shalt  }
0x6e: {  	_ =	shalt  }
0x6f: {  	_ =	shalt  }
0x70: {  	_ =	shalt  }
0x71: {  	_ =	shalt  }
0x72: {  	_ =	shalt  }
0x73: {  	_ =	shalt  }
0x74: {  	_ =	shalt  }
0x75: {  	_ =	shalt  }
0x76: {  	_ =	shalt  }
0x77: {  	_ =	shalt  }
0x78: {  	_ =	shalt  }
0x79: {  	_ =	shalt  }
0x7a: {  	_ =	shalt  }
0x7b: {  	_ =	shalt  }
0x7c: {  	_ =	shalt  }
0x7d: {  	_ =	shalt  }
0x7e: {  	_ =	shalt  }
0x7f: {  	_ =	shalt  }
0x80: {  	_ =	shalt  }
0x81: {  	_ =	shalt  }
0x82: {  	_ =	shalt  }
0x83: {  	_ =	shalt  }
0x84: {  	_ =	shalt  }
0x85: {  	_ =	shalt  }
0x86: {  	_ =	shalt  }
0x87: {  	_ =	shalt  }
.Lfunc_end0:
.L_simem_size_0:
called_computation.1_lowered:
.L_overlay_start_0:
0x88: {  	s2 =	sld [smem:$0x3FD9]  }
0x89: {  	s3 =	sld [smem:$0x3FFE];
	_ =	sdelay $0x1  }
0x8a: {  	s1 =	srdreg.scid  }
0x8b: {  	s0 =	sand.u32 $0x1, s1  }
0x8c: {  	s17 =	sshll.u32 s0, $0xA;
	s2 =	sadd.s32 s3, s2  }
0x8d: {  	s2 =	sadd.s32 s2, s17  }
0x8e: {  	[smem:$0x3FC2] =	sst s2  }
0x8f: {  	_ = 	snop  }
0x90: {  	s2 =	sld [smem:$0x3FD0];
	(tm) =	ssettm $0x1  }
0x91: {  	s18 =	sld [smem:$0x3FFB];
	_ =	sdelay $0x3  }
0x92: {  	_ =	strace s18  }
0x93: {  	s3 =	sld [smem:$0x3FFC];
	_ =	sdelay $0x3  }
0x94: {  	_ =	strace s3  }
0x95: {  	s3 =	sld [smem:$0x3FFD];
	_ =	sdelay $0x3  }
0x96: {  	_ =	strace s3  }
0x97: {  	_ =	strace $0x8FFFFFFF  }
0x98: {  	s19 =	sld [smem:$0x3FDB];
	_ =	sdelay $0x1  }
0x99: {  	s4 =	simm.s32 $_scs_section_size  }
0x9a: {  	s5 =	simm.s32 $_size__tile_overlayer_lowered;
	s6 =	simm.s32 $_tile_overlayer_lowered  }
0x9b: {  	s22 =	simm.s32 $0x1BFF;
	s21 =	sshll.u32 s6, $0x1;
	s3 =	sadd.s32 s4, s19  }
0x9c: {  	s7 =	simm.s32 $0x0;
	s20 =	sshll.u32 s5, $0x1;
	s5 =	sadd.s32 s21, s3  }
0x9d: {  	[timem:s7], [sflag:s22] =	dma.local [hbm:s5], s20  }
0x9e: {  	_ =	swait.ge [sflag:s22], s20  }
0x9f: {  	s4 =	ssub.s32 $0x0, s20;
	[sflag:s22] =	ssyncset.done $0x0  }
0xa0: {  	[sflag:s22] =	ssyncadd.s32 s4;
	_ =	sdelay $0x1  }
0xa1: {  	s23 =	simm.s32 $0x1B8B  }
0xa2: {  	_ =	swait.ge [sflag:s23], $0x1  }
0xa3: {  	[sflag:s23] =	ssyncset.done $0x0  }
0xa4: {  	s25 =	simm.s32 $0x1B8E;
	s24 =	sld [smem:$0x3FFE];
	[sflag:s23] =	ssyncadd.s32 $0xFFFFFFFF  }
0xa5: {  	s26 =	simm.s32 $execute0_lowered;
	[smem:$0x3FD2] =	sst s25  }
0xa6: {  	s5 =	sshll.u32 s26, $0x1;
	_ =	strace $0x80000049;
	[dreg:$0x1] =	wrdreg $0xFFFFFFFF  }
0xa7: {  	s28 =	simm.s32 $_size_execute0_lowered;
	s3 =	sadd.s32 s3, s5;
	[dreg:$0x0] =	wrdreg $0x0  }
0xa8: {  	s5 =	sshll.u32 s28, $0x1;
	[dreg:$0x2] =	wrdreg s3  }
0xa9: {  	[dreg:$0x3] =	wrdreg s5  }
0xaa: {  	[dreg:$0x4] =	wrdreg $0xC0  }
0xab: {  	_ =	task [dreg:s7], $0x5FFFF  }
0xac: {  	[dreg:$0x1] =	wrdreg $0xFFFFFFFF  }
0xad: {  	[dreg:$0x0] =	wrdreg $0x60  }
0xae: {  	[dreg:$0x2] =	wrdreg s24  }
0xaf: {  	[dreg:$0x3] =	wrdreg s2  }
0xb0: {  	[dreg:$0x4] =	wrdreg $0x8F000  }
0xb1: {  	[dreg:$0x5] =	wrdreg $0x9  }
0xb2: {  	_ =	task.clear_ibuf [dreg:s7], $0x6FFFF;
	_ =	strace $0x90000049  }
0xb3: {  	s29 =	simm.s32 $0x9;
	_ =	strace $0x8000004B  }
0xb4: {  	_ =	swait.ge [sflag:s29], $0x1  }
0xb5: {  	[sflag:s29] =	ssyncadd.s32 $0xFFFFFFFF  }
0xb6: {  	_ =	strace $0x9000004B  }
0xb7: {  	_ =	sfence  }
0xb8: {  	s30 =	sld [smem:$0x0];
	_ =	sdelay $0x2  }
0xb9: {  	s31 =	sshll.u32 s1, $0xD;
	s1 =	sshrl.u32 s1, $0x2  }
0xba: {  	s3 =	sand.u32 $0x4000, s31;
	s1 =	sadd.s32 s1, s30  }
0xbb: {  	s0 =	sor.u32 s3, s0;
	s1 =	sshll.u32 s1, $0x11  }
0xbc: {  	s0 =	sor.u32 s1, s0  }
0xbd: {  	s0 =	sadd.s32 $0x8F2B, s0  }
0xbe: {  	[sflag:s0] =	ssyncadd.remote.s32 $0x1  }
0xbf: {  	_ =	sfence.sel $0xFFFF  }
0xc0: {  	[dreg:$0x0] =	wrdreg $0xFFFFFFFF;
	(pc) =	sbr.abs _section_cstart, $3  }
0xc1: {  	[dreg:$0x1] =	wrdreg $0xFFFFFFFF  }
0xc2: {  	_ =	task.clear_ibuf [dreg:s7], $0x2FFFF;
	_ =	strace $0x9FFFFFFF  }
0xc3: {  	(tm) =	ssettm $0x7FFFFFFF  }
tec
execute0_lowered:
.L_overlay_start_1:
0x0: {  	(tag) =	ssettag $0x1  }
0x1: {  	s5 =	rddreg [dreg:$0x0]  }
0x2: {  	s1 =	srdreg.scid;
	s9 =	rddreg [dreg:$0x1]  }
0x3: {  	s0 =	stileid.u32;
	s2 =	rddreg [dreg:$0x2];
	s3 =	simm.s32 $0x0  }
0x4: {  	s14 =	simm.s32 $0x80;
	s15 =	simm.s32 $0x4F00;
	s16 =	simm.s32 $0x1  }
0x5: {  	s17 =	simm.s32 $0x0;
	s6 =	sand.u32 $0x1, s1;
	s1 =	rddreg [dreg:$0x3]  }
0x6: {  	s26 =	sshll.u32 s0, $0x1;
	[smem:$0x7FF] =	sst s3;
	s8 =	smul.u32 $0x14000, s0  }
0x7: {  	s30 =	sshll.u32 s0, $0x6;
	s4 =	sor.u32 s6, s26;
	_ =	strace $0x8000004A  }
0x8: {  	s11 =	ssub.s32 $0x2, s6;
	s12 =	smul.u32 $0x140000, s6;
	s6 =	sor.u32 $0x1C02, s30  }
0x9: {  	s7 =	smul.u32 $0x4F0, s4;
	s4 =	sadd.s32 $0x15C00, s5;
	s29 =	sshrl.u32 s11, $0x1  }
0xa: {  	s28 =	sshrl.u32 s8, $0x3;
	s13 =	sadd.s32 s8, s2;
	s11 =	ssub.s32 s11, s29  }
0xb: {  	s12 =	sadd.s32 s8, s12;
	s10 =	sadd.s32 s7, s5;
	s5 =	sadd.s32 s28, s5  }
0xc: {  	s31 =	sshrl.u32 s12, $0x3;
	s12 =	simm.s32 $0x2;
	s5 =	sadd.s32 $0x3DC00, s5  }
0xd: {  	s7 =	sadd.s32 $0xBE00, s10;
	s8 =	sadd.s32 $0x2000, s10;
	s9 =	sadd.s32 s9, s31  }
0xe: {  	s10 =	smax.u32 s11, $0x1;
	s11 =	sshrl.u32 s13, $0x3;
	s13 =	simm.s32 $0x2780  }
.LBB2_1:
0xf: {  	[spmem:s11], [sflag:s6] =	dma.local [hbm:s5], $0x2800  }
0x10: {  	_ =	swait.ge [sflag:s12], $0x2800  }
0x11: {  	[sflag:s12] =	ssyncset.done $0x0  }
0x12: {  	[sflag:s12] =	ssyncadd.s32 $0xFFFFD800  }
0x13: {  	[tilespmem:s3], [sflag:$0x2] =	stream.linear.gather [hbm4b:s7+s3], $0x2780, $0x38;
	[tilespmem:$0x1CF00] =	vst v63  }
0x14: {  	_ =	swait.ge [sflag:s12], $0x2780  }
0x15: {  	[sflag:s12] =	ssyncset.done $0x0  }
0x16: {  	[sflag:s12] =	ssyncadd.s32 $0xFFFFD880  }
0x17: {  	[tilespmem:s13], [sflag:$0x2] =	stream.linear.gather [hbm4b:s8+s3], $0x2780, $0x38;
	[tilespmem:$0x1CF00] =	vst v63  }
0x18: {  	_ =	swait.ge [sflag:s12], $0x2780  }
0x19: {  	[sflag:s12] =	ssyncset.done $0x0  }
0x1a: {  	[sflag:s12] =	ssyncadd.s32 $0xFFFFD880  }
0x1b: {  	s18 =	simm.s32 $0x0;
	[bflag:$0x0] =	sbarrier.arrive $0xFFFF  }
0x1c: {  	[tilespmem:s15], [sflag:$0x1] =	stream.indirect.gather [hbm4b:s4+s14], $0x80, s18, s14, $0xb8;
	[tilespmem:$0x1CF00] =	vst v63  }
0x1d: {  	_ =	swait.ge [sflag:s16], $0x4000  }
0x1e: {  	[sflag:s16] =	ssyncset.done $0x0  }
0x1f: {  	s31 =	simm.s32 $0x2780;
	[sflag:s16] =	ssyncadd.s32 $0xFFFFC000  }
0x20: {  	[spmem:s2] =	stream.indirect.scatter.add.f32 [tilespmem:s15], [sflag:$0x2], $0x80, s31, s14, $0xb8;
	[tilespmem:$0x1CF00] =	vst v63  }
0x21: {  	_ =	swait.ge [sflag:s12], $0x4000  }
0x22: {  	s19 =	simm.s32 $0x400;
	s18 =	simm.s32 $0x200;
	[sflag:s12] =	ssyncset.done $0x0  }
.LBB2_2:
0x23: {  	s20 =	sshra.s32 s18, $0x2  }
0x24: {  	[sflag:s12] =	ssyncadd.s32 $0xFFFFC000;
	s18 =	smov.u32 s19;
	s21 =	sadd.s32 $0x200, s19  }
0x25: {  	[tilespmem:s15], [sflag:$0x1] =	stream.indirect.gather [hbm4b:s4+s14], $0x80, s20, s14, $0xb8;
	[tilespmem:$0x1CF00] =	vst v63  }
0x26: {  	p0 =	sne.s32 s19, $0x9C00;
	_ =	swait.ge [sflag:s16], $0x4000  }
.Ltmp0:
0x27: {  	[sflag:s16] =	ssyncset.done $0x0;
	(pc) =	sbr.rel @p0 .LBB2_2-.Ltmp0, $4  }
0x28: {  	s19 =	sadd.s32 $0x2780, s20;
	[sflag:s16] =	ssyncadd.s32 $0xFFFFC000  }
0x29: {  	[spmem:s2] =	stream.indirect.scatter.add.f32 [tilespmem:s15], [sflag:$0x2], $0x80, s19, s14, $0xb8;
	[tilespmem:$0x1CF00] =	vst v63  }
0x2a: {  	_ =	swait.ge [sflag:s12], $0x4000  }
0x2b: {  	s19 =	smov.u32 s21;
	[sflag:s12] =	ssyncset.done $0x0  }
0x2c: {  	s18 =	sshra.s32 s18, $0x2;
	[sflag:s12] =	ssyncadd.s32 $0xFFFFC000  }
0x2d: {  	[tilespmem:s15], [sflag:$0x1] =	stream.indirect.gather [hbm4b:s4+s14], $0x80, s18, s14, $0xb8;
	[tilespmem:$0x1CF00] =	vst v63  }
0x2e: {  	_ =	swait.ge [sflag:s16], $0x4000  }
0x2f: {  	[sflag:s16] =	ssyncset.done $0x0  }
0x30: {  	s18 =	sadd.s32 $0x2780, s18;
	[sflag:s16] =	ssyncadd.s32 $0xFFFFC000  }
0x31: {  	[spmem:s2] =	stream.indirect.scatter.add.f32 [tilespmem:s15], [sflag:$0x2], $0x80, s18, s14, $0xb8;
	[tilespmem:$0x1CF00] =	vst v63  }
0x32: {  	_ =	swait.ge [sflag:s12], $0x4000  }
0x33: {  	s17 =	sadd.s32 $0x1, s17;
	[sflag:s12] =	ssyncset.done $0x0  }
0x34: {  	p0 =	sne.s32 s17, s10;
	[sflag:s12] =	ssyncadd.s32 $0xFFFFC000  }
.Ltmp1:
0x35: {  	[bflag:$0x0] =	sbarrier.arrive $0xFFFF;
	(pc) =	sbr.rel @p0 .LBB2_1-.Ltmp1, $4  }
0x36: {  	[hbm:s9], [sflag:s6] =	dma.local [spmem:s11], $0x2800  }
0x37: {  	_ =	swait.ge [sflag:s12], $0x2800  }
0x38: {  	[sflag:s12] =	ssyncset.done $0x0  }
0x39: {  	[sflag:s12] =	ssyncadd.s32 $0xFFFFD800  }
0x3a: {  	_ =	sfence.sel $0x180000  }
0x3b: {  	[bflag:$0x0] =	sbarrier.arrive $0xFFFF  }
0x3c: {  	p0 =	sne.s32 s0, $0x0;
	_ =	strace $0x9000004A  }
0x3d: {  	s0 =	sadd.s32 @!p0 $0x100000, s1;
	[bflag:$0x2] =	sbarrier.arrive $0xFFFF  }
0x3e: {  	[sflag:s0] =	ssyncadd.tile.s32 @!p0 $0x1;
	_ =	shalt  }
.Lfunc_end2:
_tile_overlayer_lowered:
.L_overlay_start_2:
0x3f: {  	(tag) =	ssettag $0x2  }
0x40: {  	s0 =	rddreg [dreg:$0x0];
	s2 =	stileid.u32  }
0x41: {  	s1 =	rddreg [dreg:$0x1];
	p0 =	sne.s32 s2, $0x0  }
0x42: {  	s3 =	rddreg [dreg:$0x2];
	[bflag:$0x3] =	sbarrier.arrive $0xFFFF;
	s2 =	simm.s32 @!p0 $0x1C02  }
0x43: {  	[timem:s3], [sflag:s2] =	dma.local @!p0 [hbm:s0], s1  }
0x44: {  	s0 =	simm.s32 @!p0 $0x2  }
0x45: {  	_ =	swait.ge @!p0 [sflag:s0], s1  }
0x46: {  	s1 =	ssub.s32 @!p0 $0x0, s1;
	[sflag:s0] =	ssyncset.done @!p0 $0x0  }
0x47: {  	[sflag:s0] =	ssyncadd.s32 @!p0 s1  }
0x48: {  	[bflag:$0x3] =	sbarrier.arrive $0xFFFF  }
0x49: {  	_ =	shalt  }

// kernel: kernel.14.cloned.1.call-start
scs
__scs_entry_jumppad:
0x0: {  	(pc) =	sbr.rel $0x88, $3  }
0x1: {  	(tag) =	ssettag $0x0;
	lr =	simm.s32 $0x1  }
0x2: {  	[smem:$0x3F9B] =	sst lr;
	_ =	strace $0xD0000000  }
0x3: {  	_ = 	snop  }
0x4: {  	_ = 	snop  }
0x5: {  	_ = 	snop  }
0x6: {  	_ = 	snop  }
0x7: {  	_ = 	snop  }
__scs_overlays_trampoline_lowered:
0x8: {  	[smem:$0x3FAA] =	sst s0  }
0x9: {  	[smem:$0x3FAB] =	sst s1  }
0xa: {  	[smem:$0x3FAC] =	sst s2  }
0xb: {  	[smem:$0x3FAD] =	sst s3  }
0xc: {  	[smem:$0x3FAE] =	sst s4  }
0xd: {  	[smem:$0x3FAF] =	sst s5  }
0xe: {  	[smem:$0x3FB0] =	sst s6  }
0xf: {  	[smem:$0x3FB1] =	sst s7  }
0x10: {  	[smem:$0x3FB2] =	sst s8  }
0x11: {  	[smem:$0x3FB3] =	sst s9;
	s0 =	simm.s32 @!p0 $0x0  }
0x12: {  	s1 =	sld [smem:$0x3F99];
	s0 =	simm.s32 @p0 $0x1  }
0x13: {  	[smem:$0x3FB4] =	sst s0;
	s0 =	simm.s32 @!p1 $0x0  }
0x14: {  	s2 =	sld [smem:$0x3F98];
	s0 =	simm.s32 @p1 $0x1  }
0x15: {  	[smem:$0x3FB5] =	sst s0;
	s0 =	simm.s32 @!p2 $0x0  }
0x16: {  	s3 =	sld [smem:$0x3FDB];
	s0 =	simm.s32 @p2 $0x1  }
0x17: {  	s4 =	simm.s32 $0x1BF5;
	[smem:$0x3FB7] =	sst s0  }
0x18: {  	s0 =	sld [smem:$0x3F9A];
	_ =	swait.ge [sflag:s4], $0x0  }
0x19: {  	s7 =	sld [smem:$0x3F9B]  }
0x1a: {  	s8 =	sadd.s32 $0xFFFFE003, lr  }
0x1b: {  	s9 =	sadd.s32 $0xFFFFFEF7, lr;
	s5 =	simm.s32 $0xFFFFFFFF;
	p2 =	slt.u32 s8, $0xFFFFF086  }
0x1c: {  	p1 =	slt.u32 s9, $0xF7A;
	s5 =	simm.s32 @!p2 $0x0  }
0x1d: {  	s5 =	simm.s32 @p1 $0x1;
	p0 =	seq.s32 s7, s2  }
0x1e: {  	s7 =	smul.u32 @!p0 $0xF7A, s2;
	p2 =	seq.s32 @!p0 s5, $0x0  }
0x1f: {  	s9 =	smul.u32 $0xF7A, s1;
	s8 =	simm.s32 @!p0 $0x1BF5;
	p2 =	por !p2, p0  }
0x20: {  	[sflag:s8] =	ssyncset.s32 @!p0 $0xFFFFF086;
	s6 =	sadd.s32 @!p0 s3, s7;
	s7 =	simm.s32 @!p0 $0x108  }
0x21: {  	s3 =	sadd.s32 s3, s9;
	s6 =	sadd.s32 @!p0 $0x88, s6;
	s7 =	simm.s32 @p2 $0x1082  }
0x22: {  	[simem:s7], [sflag:s8] =	dma.local @!p0 [hbm:s6], $0xF7A  }
0x23: {  	s9 =	sor.u32 $0xD0000000, s2;
	s6 =	simm.s32 $0x108;
	_ =	swait.ge @!p0 [sflag:s8], $0x0  }
0x24: {  	s3 =	sadd.s32 $0x88, s3;
	s6 =	simm.s32 @!p1 $0x1082;
	[sflag:s4] =	ssyncset.s32 $0xFFFFF086  }
0x25: {  	[simem:s6], [sflag:s4] =	dma.local [hbm:s3], $0xF7A  }
0x26: {  	[smem:$0x3F9B] =	sst s1;
	(tag) =	ssettag s2;
	_ =	strace s9  }
0x27: {  	s1 =	sld [smem:$0x3FAB]  }
0x28: {  	s2 =	sld [smem:$0x3FAC]  }
0x29: {  	s4 =	sld [smem:$0x3FAE]  }
0x2a: {  	p0 =	seq.s32 s5, $0x0;
	s5 =	sld [smem:$0x3FAF]  }
0x2b: {  	s6 =	sld [smem:$0x3FB0]  }
0x2c: {  	s7 =	sld [smem:$0x3FB1]  }
0x2d: {  	s3 =	simm.s32 $0x108;
	s8 =	sld [smem:$0x3FB2]  }
0x2e: {  	s3 =	simm.s32 @!p0 $0x1082;
	s9 =	sld [smem:$0x3FB3]  }
0x2f: {  	lr =	sadd.s32 s0, s3;
	s0 =	sld [smem:$0x3FAA]  }
0x30: {  	s3 =	sld [smem:$0x3FAD]  }
0x31: {  	[smem:$0x3FB6] =	sst s10  }
0x32: {  	s10 =	sld [smem:$0x3FB4];
	_ =	sdelay $0x3  }
0x33: {  	p0 =	seq.s32 s10, $0x1;
	s10 =	sld [smem:$0x3FB6];
	_ =	sdelay $0x3  }
0x34: {  	[smem:$0x3FB6] =	sst s10  }
0x35: {  	s10 =	sld [smem:$0x3FB5];
	_ =	sdelay $0x3  }
0x36: {  	p1 =	seq.s32 s10, $0x1;
	s10 =	sld [smem:$0x3FB6];
	_ =	sdelay $0x3  }
0x37: {  	[smem:$0x3FB6] =	sst s10  }
0x38: {  	s10 =	sld [smem:$0x3FB7]  }
0x39: {  	_ = 	snop;
	(pc) =	sbr.ind lr, $3  }
0x3a: {  	_ = 	snop  }
0x3b: {  	_ = 	snop  }
0x3c: {  	p2 =	seq.s32 s10, $0x1;
	s10 =	sld [smem:$0x3FB6]  }
0x3d: {  	_ =	shalt  }
0x3e: {  	_ =	shalt  }
0x3f: {  	_ =	shalt  }
0x40: {  	_ =	shalt  }
0x41: {  	_ =	shalt  }
0x42: {  	_ =	shalt  }
0x43: {  	_ =	shalt  }
0x44: {  	_ =	shalt  }
0x45: {  	_ =	shalt  }
0x46: {  	_ =	shalt  }
0x47: {  	_ =	shalt  }
0x48: {  	_ =	shalt  }
0x49: {  	_ =	shalt  }
0x4a: {  	_ =	shalt  }
0x4b: {  	_ =	shalt  }
0x4c: {  	_ =	shalt  }
0x4d: {  	_ =	shalt  }
0x4e: {  	_ =	shalt  }
0x4f: {  	_ =	shalt  }
0x50: {  	_ =	shalt  }
0x51: {  	_ =	shalt  }
0x52: {  	_ =	shalt  }
0x53: {  	_ =	shalt  }
0x54: {  	_ =	shalt  }
0x55: {  	_ =	shalt  }
0x56: {  	_ =	shalt  }
0x57: {  	_ =	shalt  }
0x58: {  	_ =	shalt  }
0x59: {  	_ =	shalt  }
0x5a: {  	_ =	shalt  }
0x5b: {  	_ =	shalt  }
0x5c: {  	_ =	shalt  }
0x5d: {  	_ =	shalt  }
0x5e: {  	_ =	shalt  }
0x5f: {  	_ =	shalt  }
0x60: {  	_ =	shalt  }
0x61: {  	_ =	shalt  }
0x62: {  	_ =	shalt  }
0x63: {  	_ =	shalt  }
0x64: {  	_ =	shalt  }
0x65: {  	_ =	shalt  }
0x66: {  	_ =	shalt  }
0x67: {  	_ =	shalt  }
0x68: {  	_ =	shalt  }
0x69: {  	_ =	shalt  }
0x6a: {  	_ =	shalt  }
0x6b: {  	_ =	shalt  }
0x6c: {  	_ =	shalt  }
0x6d: {  	_ =	shalt  }
0x6e: {  	_ =	shalt  }
0x6f: {  	_ =	shalt  }
0x70: {  	_ =	shalt  }
0x71: {  	_ =	shalt  }
0x72: {  	_ =	shalt  }
0x73: {  	_ =	shalt  }
0x74: {  	_ =	shalt  }
0x75: {  	_ =	shalt  }
0x76: {  	_ =	shalt  }
0x77: {  	_ =	shalt  }
0x78: {  	_ =	shalt  }
0x79: {  	_ =	shalt  }
0x7a: {  	_ =	shalt  }
0x7b: {  	_ =	shalt  }
0x7c: {  	_ =	shalt  }
0x7d: {  	_ =	shalt  }
0x7e: {  	_ =	shalt  }
0x7f: {  	_ =	shalt  }
0x80: {  	_ =	shalt  }
0x81: {  	_ =	shalt  }
0x82: {  	_ =	shalt  }
0x83: {  	_ =	shalt  }
0x84: {  	_ =	shalt  }
0x85: {  	_ =	shalt  }
0x86: {  	_ =	shalt  }
0x87: {  	_ =	shalt  }
.Lfunc_end0:
.L_simem_size_0:
called_computation.2_lowered:
.L_overlay_start_0:
0x88: {  	s2 =	sld [smem:$0x3FD9]  }
0x89: {  	s3 =	sld [smem:$0x3FFE];
	_ =	sdelay $0x1  }
0x8a: {  	s1 =	srdreg.scid  }
0x8b: {  	s0 =	sand.u32 $0x1, s1  }
0x8c: {  	s17 =	sshll.u32 s0, $0xA;
	s2 =	sadd.s32 s3, s2  }
0x8d: {  	s2 =	sadd.s32 s2, s17  }
0x8e: {  	[smem:$0x3FC2] =	sst s2  }
0x8f: {  	_ = 	snop  }
0x90: {  	s2 =	sld [smem:$0x3FD0];
	(tm) =	ssettm $0x1  }
0x91: {  	s18 =	sld [smem:$0x3FFB];
	_ =	sdelay $0x3  }
0x92: {  	_ =	strace s18  }
0x93: {  	s3 =	sld [smem:$0x3FFC];
	_ =	sdelay $0x3  }
0x94: {  	_ =	strace s3  }
0x95: {  	s3 =	sld [smem:$0x3FFD];
	_ =	sdelay $0x3  }
0x96: {  	_ =	strace s3  }
0x97: {  	_ =	strace $0x8FFFFFFF  }
0x98: {  	s19 =	sld [smem:$0x3FDB];
	_ =	sdelay $0x1  }
0x99: {  	s4 =	simm.s32 $_scs_section_size  }
0x9a: {  	s5 =	simm.s32 $_size__tile_overlayer_lowered;
	s6 =	simm.s32 $_tile_overlayer_lowered  }
0x9b: {  	s22 =	simm.s32 $0x1BFF;
	s21 =	sshll.u32 s6, $0x1;
	s3 =	sadd.s32 s4, s19  }
0x9c: {  	s7 =	simm.s32 $0x0;
	s20 =	sshll.u32 s5, $0x1;
	s5 =	sadd.s32 s21, s3  }
0x9d: {  	[timem:s7], [sflag:s22] =	dma.local [hbm:s5], s20  }
0x9e: {  	_ =	swait.ge [sflag:s22], s20  }
0x9f: {  	s4 =	ssub.s32 $0x0, s20;
	[sflag:s22] =	ssyncset.done $0x0  }
0xa0: {  	[sflag:s22] =	ssyncadd.s32 s4;
	_ =	sdelay $0x1  }
0xa1: {  	s23 =	simm.s32 $0x1B8B  }
0xa2: {  	_ =	swait.ge [sflag:s23], $0x1  }
0xa3: {  	[sflag:s23] =	ssyncset.done $0x0  }
0xa4: {  	s25 =	simm.s32 $0x1B8E;
	s24 =	sld [smem:$0x3FFE];
	[sflag:s23] =	ssyncadd.s32 $0xFFFFFFFF  }
0xa5: {  	s26 =	simm.s32 $execute0_lowered;
	[smem:$0x3FD2] =	sst s25  }
0xa6: {  	s5 =	sshll.u32 s26, $0x1;
	_ =	strace $0x8000004C;
	[dreg:$0x1] =	wrdreg $0xFFFFFFFF  }
0xa7: {  	s28 =	simm.s32 $_size_execute0_lowered;
	s3 =	sadd.s32 s3, s5;
	[dreg:$0x0] =	wrdreg $0x0  }
0xa8: {  	s5 =	sshll.u32 s28, $0x1;
	[dreg:$0x2] =	wrdreg s3  }
0xa9: {  	[dreg:$0x3] =	wrdreg s5  }
0xaa: {  	[dreg:$0x4] =	wrdreg $0xC0  }
0xab: {  	_ =	task [dreg:s7], $0x5FFFF  }
0xac: {  	[dreg:$0x1] =	wrdreg $0xFFFFFFFF  }
0xad: {  	[dreg:$0x0] =	wrdreg $0x60  }
0xae: {  	[dreg:$0x2] =	wrdreg s24  }
0xaf: {  	[dreg:$0x3] =	wrdreg s2  }
0xb0: {  	[dreg:$0x4] =	wrdreg $0x6F000  }
0xb1: {  	[dreg:$0x5] =	wrdreg $0x9  }
0xb2: {  	_ =	task.clear_ibuf [dreg:s7], $0x6FFFF;
	_ =	strace $0x9000004C  }
0xb3: {  	s29 =	simm.s32 $0x9;
	_ =	strace $0x8000004E  }
0xb4: {  	_ =	swait.ge [sflag:s29], $0x1  }
0xb5: {  	[sflag:s29] =	ssyncadd.s32 $0xFFFFFFFF  }
0xb6: {  	_ =	strace $0x9000004E  }
0xb7: {  	_ =	sfence  }
0xb8: {  	s30 =	sld [smem:$0x0];
	_ =	sdelay $0x2  }
0xb9: {  	s31 =	sshll.u32 s1, $0xD;
	s1 =	sshrl.u32 s1, $0x2  }
0xba: {  	s3 =	sand.u32 $0x4000, s31;
	s1 =	sadd.s32 s1, s30  }
0xbb: {  	s0 =	sor.u32 s3, s0;
	s1 =	sshll.u32 s1, $0x11  }
0xbc: {  	s0 =	sor.u32 s1, s0  }
0xbd: {  	s0 =	sadd.s32 $0x8F2B, s0  }
0xbe: {  	[sflag:s0] =	ssyncadd.remote.s32 $0x1  }
0xbf: {  	_ =	sfence.sel $0xFFFF  }
0xc0: {  	[dreg:$0x0] =	wrdreg $0xFFFFFFFF;
	(pc) =	sbr.abs _section_cstart, $3  }
0xc1: {  	[dreg:$0x1] =	wrdreg $0xFFFFFFFF  }
0xc2: {  	_ =	task.clear_ibuf [dreg:s7], $0x2FFFF;
	_ =	strace $0x9FFFFFFF  }
0xc3: {  	(tm) =	ssettm $0x7FFFFFFF  }
tec
execute0_lowered:
.L_overlay_start_1:
0x0: {  	(tag) =	ssettag $0x1  }
0x1: {  	s5 =	rddreg [dreg:$0x0]  }
0x2: {  	s1 =	srdreg.scid;
	s9 =	rddreg [dreg:$0x1]  }
0x3: {  	s0 =	stileid.u32;
	s2 =	rddreg [dreg:$0x2];
	s3 =	simm.s32 $0x0  }
0x4: {  	s14 =	simm.s32 $0x80;
	s15 =	simm.s32 $0x4F00;
	s16 =	simm.s32 $0x1  }
0x5: {  	s17 =	simm.s32 $0x0;
	s6 =	sand.u32 $0x1, s1;
	s1 =	rddreg [dreg:$0x3]  }
0x6: {  	s26 =	sshll.u32 s0, $0x1;
	[smem:$0x7FF] =	sst s3;
	s8 =	smul.u32 $0xA000, s0  }
0x7: {  	s30 =	sshll.u32 s0, $0x6;
	s4 =	sor.u32 s6, s26;
	_ =	strace $0x8000004D  }
0x8: {  	s11 =	ssub.s32 $0x2, s6;
	s12 =	smul.u32 $0xA0000, s6;
	s6 =	sor.u32 $0x1C02, s30  }
0x9: {  	s7 =	smul.u32 $0x4F0, s4;
	s4 =	sadd.s32 $0x15C00, s5;
	s29 =	sshrl.u32 s11, $0x1  }
0xa: {  	s28 =	sshrl.u32 s8, $0x3;
	s13 =	sadd.s32 s8, s2;
	s11 =	ssub.s32 s11, s29  }
0xb: {  	s12 =	sadd.s32 s8, s12;
	s10 =	sadd.s32 s7, s5;
	s5 =	sadd.s32 s28, s5  }
0xc: {  	s31 =	sshrl.u32 s12, $0x3;
	s12 =	simm.s32 $0x2;
	s5 =	sadd.s32 $0x29C00, s5  }
0xd: {  	s7 =	sadd.s32 $0xBE00, s10;
	s8 =	sadd.s32 $0x2000, s10;
	s9 =	sadd.s32 s9, s31  }
0xe: {  	s10 =	smax.u32 s11, $0x1;
	s11 =	sshrl.u32 s13, $0x3;
	s13 =	simm.s32 $0x2780  }
.LBB2_1:
0xf: {  	[spmem:s11], [sflag:s6] =	dma.local [hbm:s5], $0x1400  }
0x10: {  	_ =	swait.ge [sflag:s12], $0x1400  }
0x11: {  	[sflag:s12] =	ssyncset.done $0x0  }
0x12: {  	[sflag:s12] =	ssyncadd.s32 $0xFFFFEC00  }
0x13: {  	[tilespmem:s3], [sflag:$0x2] =	stream.linear.gather [hbm4b:s7+s3], $0x2780, $0x38;
	[tilespmem:$0x10F00] =	vst v63  }
0x14: {  	_ =	swait.ge [sflag:s12], $0x2780  }
0x15: {  	[sflag:s12] =	ssyncset.done $0x0  }
0x16: {  	[sflag:s12] =	ssyncadd.s32 $0xFFFFD880  }
0x17: {  	[tilespmem:s13], [sflag:$0x2] =	stream.linear.gather [hbm4b:s8+s3], $0x2780, $0x38;
	[tilespmem:$0x10F00] =	vst v63  }
0x18: {  	_ =	swait.ge [sflag:s12], $0x2780  }
0x19: {  	[sflag:s12] =	ssyncset.done $0x0  }
0x1a: {  	[sflag:s12] =	ssyncadd.s32 $0xFFFFD880  }
0x1b: {  	s18 =	simm.s32 $0x0;
	[bflag:$0x0] =	sbarrier.arrive $0xFFFF  }
0x1c: {  	[tilespmem:s15], [sflag:$0x1] =	stream.indirect.gather [hbm4b:s4+s14], $0x40, s18, s14, $0xb8;
	[tilespmem:$0x10F00] =	vst v63  }
0x1d: {  	_ =	swait.ge [sflag:s16], $0x2000  }
0x1e: {  	[sflag:s16] =	ssyncset.done $0x0  }
0x1f: {  	s31 =	simm.s32 $0x2780;
	[sflag:s16] =	ssyncadd.s32 $0xFFFFE000  }
0x20: {  	[spmem:s2] =	stream.indirect.scatter.add.f32 [tilespmem:s15], [sflag:$0x2], $0x40, s31, s14, $0xb8;
	[tilespmem:$0x10F00] =	vst v63  }
0x21: {  	_ =	swait.ge [sflag:s12], $0x2000  }
0x22: {  	s19 =	simm.s32 $0x400;
	s18 =	simm.s32 $0x200;
	[sflag:s12] =	ssyncset.done $0x0  }
.LBB2_2:
0x23: {  	s20 =	sshra.s32 s18, $0x2  }
0x24: {  	[sflag:s12] =	ssyncadd.s32 $0xFFFFE000;
	s18 =	smov.u32 s19;
	s21 =	sadd.s32 $0x200, s19  }
0x25: {  	[tilespmem:s15], [sflag:$0x1] =	stream.indirect.gather [hbm4b:s4+s14], $0x40, s20, s14, $0xb8;
	[tilespmem:$0x10F00] =	vst v63  }
0x26: {  	p0 =	sne.s32 s19, $0x9C00;
	_ =	swait.ge [sflag:s16], $0x2000  }
.Ltmp0:
0x27: {  	[sflag:s16] =	ssyncset.done $0x0;
	(pc) =	sbr.rel @p0 .LBB2_2-.Ltmp0, $4  }
0x28: {  	s19 =	sadd.s32 $0x2780, s20;
	[sflag:s16] =	ssyncadd.s32 $0xFFFFE000  }
0x29: {  	[spmem:s2] =	stream.indirect.scatter.add.f32 [tilespmem:s15], [sflag:$0x2], $0x40, s19, s14, $0xb8;
	[tilespmem:$0x10F00] =	vst v63  }
0x2a: {  	_ =	swait.ge [sflag:s12], $0x2000  }
0x2b: {  	s19 =	smov.u32 s21;
	[sflag:s12] =	ssyncset.done $0x0  }
0x2c: {  	s18 =	sshra.s32 s18, $0x2;
	[sflag:s12] =	ssyncadd.s32 $0xFFFFE000  }
0x2d: {  	[tilespmem:s15], [sflag:$0x1] =	stream.indirect.gather [hbm4b:s4+s14], $0x40, s18, s14, $0xb8;
	[tilespmem:$0x10F00] =	vst v63  }
0x2e: {  	_ =	swait.ge [sflag:s16], $0x2000  }
0x2f: {  	[sflag:s16] =	ssyncset.done $0x0  }
0x30: {  	s18 =	sadd.s32 $0x2780, s18;
	[sflag:s16] =	ssyncadd.s32 $0xFFFFE000  }
0x31: {  	[spmem:s2] =	stream.indirect.scatter.add.f32 [tilespmem:s15], [sflag:$0x2], $0x40, s18, s14, $0xb8;
	[tilespmem:$0x10F00] =	vst v63  }
0x32: {  	_ =	swait.ge [sflag:s12], $0x2000  }
0x33: {  	s17 =	sadd.s32 $0x1, s17;
	[sflag:s12] =	ssyncset.done $0x0  }
0x34: {  	p0 =	sne.s32 s17, s10;
	[sflag:s12] =	ssyncadd.s32 $0xFFFFE000  }
.Ltmp1:
0x35: {  	[bflag:$0x0] =	sbarrier.arrive $0xFFFF;
	(pc) =	sbr.rel @p0 .LBB2_1-.Ltmp1, $4  }
0x36: {  	[hbm:s9], [sflag:s6] =	dma.local [spmem:s11], $0x1400  }
0x37: {  	_ =	swait.ge [sflag:s12], $0x1400  }
0x38: {  	[sflag:s12] =	ssyncset.done $0x0  }
0x39: {  	[sflag:s12] =	ssyncadd.s32 $0xFFFFEC00  }
0x3a: {  	_ =	sfence.sel $0x180000  }
0x3b: {  	[bflag:$0x0] =	sbarrier.arrive $0xFFFF  }
0x3c: {  	p0 =	sne.s32 s0, $0x0;
	_ =	strace $0x9000004D  }
0x3d: {  	s0 =	sadd.s32 @!p0 $0x100000, s1;
	[bflag:$0x2] =	sbarrier.arrive $0xFFFF  }
0x3e: {  	[sflag:s0] =	ssyncadd.tile.s32 @!p0 $0x1;
	_ =	shalt  }
.Lfunc_end2:
_tile_overlayer_lowered:
.L_overlay_start_2:
0x3f: {  	(tag) =	ssettag $0x2  }
0x40: {  	s0 =	rddreg [dreg:$0x0];
	s2 =	stileid.u32  }
0x41: {  	s1 =	rddreg [dreg:$0x1];
	p0 =	sne.s32 s2, $0x0  }
0x42: {  	s3 =	rddreg [dreg:$0x2];
	[bflag:$0x3] =	sbarrier.arrive $0xFFFF;
	s2 =	simm.s32 @!p0 $0x1C02  }
0x43: {  	[timem:s3], [sflag:s2] =	dma.local @!p0 [hbm:s0], s1  }
0x44: {  	s0 =	simm.s32 @!p0 $0x2  }
0x45: {  	_ =	swait.ge @!p0 [sflag:s0], s1  }
0x46: {  	s1 =	ssub.s32 @!p0 $0x0, s1;
	[sflag:s0] =	ssyncset.done @!p0 $0x0  }
0x47: {  	[sflag:s0] =	ssyncadd.s32 @!p0 s1  }
0x48: {  	[bflag:$0x3] =	sbarrier.arrive $0xFFFF  }
0x49: {  	_ =	shalt  }

// kernel: kernel.8.cloned.1.call-start
scs
__scs_entry_jumppad:
0x0: {  	(pc) =	sbr.rel $0x88, $3  }
0x1: {  	(tag) =	ssettag $0x0;
	lr =	simm.s32 $0x1  }
0x2: {  	[smem:$0x3F9B] =	sst lr;
	_ =	strace $0xD0000000  }
0x3: {  	_ = 	snop  }
0x4: {  	_ = 	snop  }
0x5: {  	_ = 	snop  }
0x6: {  	_ = 	snop  }
0x7: {  	_ = 	snop  }
__scs_overlays_trampoline_lowered:
0x8: {  	[smem:$0x3FAA] =	sst s0  }
0x9: {  	[smem:$0x3FAB] =	sst s1  }
0xa: {  	[smem:$0x3FAC] =	sst s2  }
0xb: {  	[smem:$0x3FAD] =	sst s3  }
0xc: {  	[smem:$0x3FAE] =	sst s4  }
0xd: {  	[smem:$0x3FAF] =	sst s5  }
0xe: {  	[smem:$0x3FB0] =	sst s6  }
0xf: {  	[smem:$0x3FB1] =	sst s7  }
0x10: {  	[smem:$0x3FB2] =	sst s8  }
0x11: {  	[smem:$0x3FB3] =	sst s9;
	s0 =	simm.s32 @!p0 $0x0  }
0x12: {  	s1 =	sld [smem:$0x3F99];
	s0 =	simm.s32 @p0 $0x1  }
0x13: {  	[smem:$0x3FB4] =	sst s0;
	s0 =	simm.s32 @!p1 $0x0  }
0x14: {  	s2 =	sld [smem:$0x3F98];
	s0 =	simm.s32 @p1 $0x1  }
0x15: {  	[smem:$0x3FB5] =	sst s0;
	s0 =	simm.s32 @!p2 $0x0  }
0x16: {  	s3 =	sld [smem:$0x3FDB];
	s0 =	simm.s32 @p2 $0x1  }
0x17: {  	s4 =	simm.s32 $0x1BF5;
	[smem:$0x3FB7] =	sst s0  }
0x18: {  	s0 =	sld [smem:$0x3F9A];
	_ =	swait.ge [sflag:s4], $0x0  }
0x19: {  	s7 =	sld [smem:$0x3F9B]  }
0x1a: {  	s8 =	sadd.s32 $0xFFFFE003, lr  }
0x1b: {  	s9 =	sadd.s32 $0xFFFFFEF7, lr;
	s5 =	simm.s32 $0xFFFFFFFF;
	p2 =	slt.u32 s8, $0xFFFFF086  }
0x1c: {  	p1 =	slt.u32 s9, $0xF7A;
	s5 =	simm.s32 @!p2 $0x0  }
0x1d: {  	s5 =	simm.s32 @p1 $0x1;
	p0 =	seq.s32 s7, s2  }
0x1e: {  	s7 =	smul.u32 @!p0 $0xF7A, s2;
	p2 =	seq.s32 @!p0 s5, $0x0  }
0x1f: {  	s9 =	smul.u32 $0xF7A, s1;
	s8 =	simm.s32 @!p0 $0x1BF5;
	p2 =	por !p2, p0  }
0x20: {  	[sflag:s8] =	ssyncset.s32 @!p0 $0xFFFFF086;
	s6 =	sadd.s32 @!p0 s3, s7;
	s7 =	simm.s32 @!p0 $0x108  }
0x21: {  	s3 =	sadd.s32 s3, s9;
	s6 =	sadd.s32 @!p0 $0x88, s6;
	s7 =	simm.s32 @p2 $0x1082  }
0x22: {  	[simem:s7], [sflag:s8] =	dma.local @!p0 [hbm:s6], $0xF7A  }
0x23: {  	s9 =	sor.u32 $0xD0000000, s2;
	s6 =	simm.s32 $0x108;
	_ =	swait.ge @!p0 [sflag:s8], $0x0  }
0x24: {  	s3 =	sadd.s32 $0x88, s3;
	s6 =	simm.s32 @!p1 $0x1082;
	[sflag:s4] =	ssyncset.s32 $0xFFFFF086  }
0x25: {  	[simem:s6], [sflag:s4] =	dma.local [hbm:s3], $0xF7A  }
0x26: {  	[smem:$0x3F9B] =	sst s1;
	(tag) =	ssettag s2;
	_ =	strace s9  }
0x27: {  	s1 =	sld [smem:$0x3FAB]  }
0x28: {  	s2 =	sld [smem:$0x3FAC]  }
0x29: {  	s4 =	sld [smem:$0x3FAE]  }
0x2a: {  	p0 =	seq.s32 s5, $0x0;
	s5 =	sld [smem:$0x3FAF]  }
0x2b: {  	s6 =	sld [smem:$0x3FB0]  }
0x2c: {  	s7 =	sld [smem:$0x3FB1]  }
0x2d: {  	s3 =	simm.s32 $0x108;
	s8 =	sld [smem:$0x3FB2]  }
0x2e: {  	s3 =	simm.s32 @!p0 $0x1082;
	s9 =	sld [smem:$0x3FB3]  }
0x2f: {  	lr =	sadd.s32 s0, s3;
	s0 =	sld [smem:$0x3FAA]  }
0x30: {  	s3 =	sld [smem:$0x3FAD]  }
0x31: {  	[smem:$0x3FB6] =	sst s10  }
0x32: {  	s10 =	sld [smem:$0x3FB4];
	_ =	sdelay $0x3  }
0x33: {  	p0 =	seq.s32 s10, $0x1;
	s10 =	sld [smem:$0x3FB6];
	_ =	sdelay $0x3  }
0x34: {  	[smem:$0x3FB6] =	sst s10  }
0x35: {  	s10 =	sld [smem:$0x3FB5];
	_ =	sdelay $0x3  }
0x36: {  	p1 =	seq.s32 s10, $0x1;
	s10 =	sld [smem:$0x3FB6];
	_ =	sdelay $0x3  }
0x37: {  	[smem:$0x3FB6] =	sst s10  }
0x38: {  	s10 =	sld [smem:$0x3FB7]  }
0x39: {  	_ = 	snop;
	(pc) =	sbr.ind lr, $3  }
0x3a: {  	_ = 	snop  }
0x3b: {  	_ = 	snop  }
0x3c: {  	p2 =	seq.s32 s10, $0x1;
	s10 =	sld [smem:$0x3FB6]  }
0x3d: {  	_ =	shalt  }
0x3e: {  	_ =	shalt  }
0x3f: {  	_ =	shalt  }
0x40: {  	_ =	shalt  }
0x41: {  	_ =	shalt  }
0x42: {  	_ =	shalt  }
0x43: {  	_ =	shalt  }
0x44: {  	_ =	shalt  }
0x45: {  	_ =	shalt  }
0x46: {  	_ =	shalt  }
0x47: {  	_ =	shalt  }
0x48: {  	_ =	shalt  }
0x49: {  	_ =	shalt  }
0x4a: {  	_ =	shalt  }
0x4b: {  	_ =	shalt  }
0x4c: {  	_ =	shalt  }
0x4d: {  	_ =	shalt  }
0x4e: {  	_ =	shalt  }
0x4f: {  	_ =	shalt  }
0x50: {  	_ =	shalt  }
0x51: {  	_ =	shalt  }
0x52: {  	_ =	shalt  }
0x53: {  	_ =	shalt  }
0x54: {  	_ =	shalt  }
0x55: {  	_ =	shalt  }
0x56: {  	_ =	shalt  }
0x57: {  	_ =	shalt  }
0x58: {  	_ =	shalt  }
0x59: {  	_ =	shalt  }
0x5a: {  	_ =	shalt  }
0x5b: {  	_ =	shalt  }
0x5c: {  	_ =	shalt  }
0x5d: {  	_ =	shalt  }
0x5e: {  	_ =	shalt  }
0x5f: {  	_ =	shalt  }
0x60: {  	_ =	shalt  }
0x61: {  	_ =	shalt  }
0x62: {  	_ =	shalt  }
0x63: {  	_ =	shalt  }
0x64: {  	_ =	shalt  }
0x65: {  	_ =	shalt  }
0x66: {  	_ =	shalt  }
0x67: {  	_ =	shalt  }
0x68: {  	_ =	shalt  }
0x69: {  	_ =	shalt  }
0x6a: {  	_ =	shalt  }
0x6b: {  	_ =	shalt  }
0x6c: {  	_ =	shalt  }
0x6d: {  	_ =	shalt  }
0x6e: {  	_ =	shalt  }
0x6f: {  	_ =	shalt  }
0x70: {  	_ =	shalt  }
0x71: {  	_ =	shalt  }
0x72: {  	_ =	shalt  }
0x73: {  	_ =	shalt  }
0x74: {  	_ =	shalt  }
0x75: {  	_ =	shalt  }
0x76: {  	_ =	shalt  }
0x77: {  	_ =	shalt  }
0x78: {  	_ =	shalt  }
0x79: {  	_ =	shalt  }
0x7a: {  	_ =	shalt  }
0x7b: {  	_ =	shalt  }
0x7c: {  	_ =	shalt  }
0x7d: {  	_ =	shalt  }
0x7e: {  	_ =	shalt  }
0x7f: {  	_ =	shalt  }
0x80: {  	_ =	shalt  }
0x81: {  	_ =	shalt  }
0x82: {  	_ =	shalt  }
0x83: {  	_ =	shalt  }
0x84: {  	_ =	shalt  }
0x85: {  	_ =	shalt  }
0x86: {  	_ =	shalt  }
0x87: {  	_ =	shalt  }
.Lfunc_end0:
.L_simem_size_0:
called_computation_lowered:
.L_overlay_start_0:
0x88: {  	s2 =	sld [smem:$0x3FD9]  }
0x89: {  	s3 =	sld [smem:$0x3FFE];
	_ =	sdelay $0x1  }
0x8a: {  	s1 =	srdreg.scid  }
0x8b: {  	s0 =	sand.u32 $0x1, s1  }
0x8c: {  	s17 =	sshll.u32 s0, $0xA;
	s2 =	sadd.s32 s3, s2  }
0x8d: {  	s2 =	sadd.s32 s2, s17  }
0x8e: {  	[smem:$0x3FC2] =	sst s2  }
0x8f: {  	_ = 	snop  }
0x90: {  	s2 =	sld [smem:$0x3FD0];
	(tm) =	ssettm $0x1  }
0x91: {  	s18 =	sld [smem:$0x3FFB];
	_ =	sdelay $0x3  }
0x92: {  	_ =	strace s18  }
0x93: {  	s3 =	sld [smem:$0x3FFC];
	_ =	sdelay $0x3  }
0x94: {  	_ =	strace s3  }
0x95: {  	s3 =	sld [smem:$0x3FFD];
	_ =	sdelay $0x3  }
0x96: {  	_ =	strace s3  }
0x97: {  	_ =	strace $0x8FFFFFFF  }
0x98: {  	s19 =	sld [smem:$0x3FDB];
	_ =	sdelay $0x1  }
0x99: {  	s4 =	simm.s32 $_scs_section_size  }
0x9a: {  	s5 =	simm.s32 $_size__tile_overlayer_lowered;
	s6 =	simm.s32 $_tile_overlayer_lowered  }
0x9b: {  	s22 =	simm.s32 $0x1BFF;
	s21 =	sshll.u32 s6, $0x1;
	s3 =	sadd.s32 s4, s19  }
0x9c: {  	s7 =	simm.s32 $0x0;
	s20 =	sshll.u32 s5, $0x1;
	s5 =	sadd.s32 s21, s3  }
0x9d: {  	[timem:s7], [sflag:s22] =	dma.local [hbm:s5], s20  }
0x9e: {  	_ =	swait.ge [sflag:s22], s20  }
0x9f: {  	s4 =	ssub.s32 $0x0, s20;
	[sflag:s22] =	ssyncset.done $0x0  }
0xa0: {  	[sflag:s22] =	ssyncadd.s32 s4;
	_ =	sdelay $0x1  }
0xa1: {  	s23 =	simm.s32 $0x1B8B  }
0xa2: {  	_ =	swait.ge [sflag:s23], $0x1  }
0xa3: {  	[sflag:s23] =	ssyncset.done $0x0  }
0xa4: {  	s25 =	simm.s32 $0x1B8E;
	s24 =	sld [smem:$0x3FFE];
	[sflag:s23] =	ssyncadd.s32 $0xFFFFFFFF  }
0xa5: {  	s26 =	simm.s32 $execute0_lowered;
	[smem:$0x3FD2] =	sst s25  }
0xa6: {  	s5 =	sshll.u32 s26, $0x1;
	_ =	strace $0x80000046;
	[dreg:$0x1] =	wrdreg $0xFFFFFFFF  }
0xa7: {  	s28 =	simm.s32 $_size_execute0_lowered;
	s3 =	sadd.s32 s3, s5;
	[dreg:$0x0] =	wrdreg $0x0  }
0xa8: {  	s5 =	sshll.u32 s28, $0x1;
	[dreg:$0x2] =	wrdreg s3  }
0xa9: {  	[dreg:$0x3] =	wrdreg s5  }
0xaa: {  	[dreg:$0x4] =	wrdreg $0xC0  }
0xab: {  	_ =	task [dreg:s7], $0x5FFFF  }
0xac: {  	[dreg:$0x1] =	wrdreg $0xFFFFFFFF  }
0xad: {  	[dreg:$0x0] =	wrdreg $0x60  }
0xae: {  	[dreg:$0x2] =	wrdreg s24  }
0xaf: {  	[dreg:$0x3] =	wrdreg s2  }
0xb0: {  	[dreg:$0x4] =	wrdreg $0x9  }
0xb1: {  	_ =	task.clear_ibuf [dreg:s7], $0x5FFFF;
	_ =	strace $0x90000046  }
0xb2: {  	s29 =	simm.s32 $0x9;
	_ =	strace $0x80000048  }
0xb3: {  	_ =	swait.ge [sflag:s29], $0x1  }
0xb4: {  	[sflag:s29] =	ssyncadd.s32 $0xFFFFFFFF  }
0xb5: {  	_ =	strace $0x90000048  }
0xb6: {  	_ =	sfence  }
0xb7: {  	s30 =	sld [smem:$0x0];
	_ =	sdelay $0x2  }
0xb8: {  	s31 =	sshll.u32 s1, $0xD;
	s1 =	sshrl.u32 s1, $0x2  }
0xb9: {  	s3 =	sand.u32 $0x4000, s31;
	s1 =	sadd.s32 s1, s30  }
0xba: {  	s0 =	sor.u32 s3, s0;
	s1 =	sshll.u32 s1, $0x11  }
0xbb: {  	s0 =	sor.u32 s1, s0  }
0xbc: {  	s0 =	sadd.s32 $0x8F2B, s0  }
0xbd: {  	[sflag:s0] =	ssyncadd.remote.s32 $0x1  }
0xbe: {  	_ =	sfence.sel $0xFFFF  }
0xbf: {  	[dreg:$0x0] =	wrdreg $0xFFFFFFFF;
	(pc) =	sbr.abs _section_cstart, $3  }
0xc0: {  	[dreg:$0x1] =	wrdreg $0xFFFFFFFF  }
0xc1: {  	_ =	task.clear_ibuf [dreg:s7], $0x2FFFF;
	_ =	strace $0x9FFFFFFF  }
0xc2: {  	(tm) =	ssettm $0x7FFFFFFF  }
0xc3: {  	_ =	shalt  }
tec
execute0_lowered:
.L_overlay_start_1:
0x0: {  	(tag) =	ssettag $0x1  }
0x1: {  	s3 =	rddreg [dreg:$0x0];
	s1 =	srdreg.scid  }
0x2: {  	s0 =	stileid.u32;
	s6 =	rddreg [dreg:$0x1];
	s10 =	simm.s32 $0x5000  }
0x3: {  	s11 =	simm.s32 $0x80;
	s12 =	simm.s32 $0x400;
	s13 =	simm.s32 $0x0  }
0x4: {  	s4 =	sand.u32 $0x1, s1;
	s2 =	sshll.u32 s0, $0x1;
	s8 =	sshrl.u32 s0, $0x2  }
0x5: {  	s1 =	rddreg [dreg:$0x2];
	s5 =	sor.u32 s4, s2;
	s8 =	smul.u32 $0x14000, s8  }
0x6: {  	s2 =	simm.s32 $0x0;
	s4 =	ssub.s32 $0x2, s4;
	s7 =	smul.u32 $0x500, s5  }
0x7: {  	[smem:$0x7FF] =	sst s2;
	s5 =	sshll.u32 s5, $0x7;
	s29 =	sshrl.u32 s4, $0x1  }
0x8: {  	_ =	strace $0x80000047;
	s5 =	sand.u32 $0x380, s5;
	s30 =	ssub.s32 s4, s29  }
0x9: {  	s7 =	sadd.s32 s7, s3;
	s5 =	sor.u32 s8, s5;
	s8 =	simm.s32 $0x1  }
0xa: {  	s3 =	sadd.s32 $0x15C00, s7;
	s9 =	sadd.s32 $0x50000, s5;
	s4 =	sadd.s32 $0x1FC00, s7  }
0xb: {  	s5 =	sshrl.u32 s5, $0x3;
	s7 =	smax.u32 s30, $0x1;
	s31 =	sshrl.u32 s9, $0x3  }
0xc: {  	v0 =	vimm.f32 $0.0e+00;
	v1 =	vimm.f32 $1.000000000e+00;
	s5 =	sadd.s32 s6, s5;
	s9 =	simm.s32 $0x2800;
	s6 =	sadd.s32 s6, s31  }
.LBB2_1:
0xd: {  	s14 =	simm.s32 $0x40;
	s15 =	simm.s32 $0x0  }
.LBB2_2:
0xe: {  	p0 =	sne.s32 s14, $0x9FC0;
	[tilespmem:s15+$0x2800] =	vst v0;
	s16 =	smov.u32 s14;
	s14 =	sadd.s32 $0x40, s14  }
.Ltmp0:
0xf: {  	[tilespmem:s15+$0x5000] =	vst v0;
	(pc) =	sbr.rel @p0 .LBB2_2-.Ltmp0, $2  }
0x10: {  	_ =	sdelay $0x2  }
0x11: {  	s15 =	sshra.s32 s16, $0x2  }
0x12: {  	[tilespmem:s15+$0x2800] =	vst v0  }
0x13: {  	[tilespmem:s15+$0x5000] =	vst v0  }
0x14: {  	[tilespmem:s2], [sflag:$0x1] =	stream.linear.gather [hbm4b:s3+s2], $0x2780, $0x38;
	[tilespmem:$0x7800] =	vst v63  }
0x15: {  	_ =	swait.ge [sflag:s8], $0x2780  }
0x16: {  	[sflag:s8] =	ssyncset.done $0x0  }
0x17: {  	s14 =	simm.s32 $0x1C0;
	[sflag:s8] =	ssyncadd.s32 $0xFFFFD880  }
.LBB2_4:
0x18: {  	s15 =	sshra.s32 s14, $0x2  }
0x19: {  	v2 =	vld [tilespmem:s15+$0xFFFFFF90];
	_ =	sdelay $0x7  }
0x1a: {  	[tilespmem:v2+s9+$0x0] =	vst.idx.add.f32.msk $0xffff, v1  }
0x1b: {  	v2 =	vld [tilespmem:s15+$0xFFFFFFA0];
	_ =	sdelay $0x7  }
0x1c: {  	[tilespmem:v2+s9+$0x0] =	vst.idx.add.f32.msk $0xffff, v1  }
0x1d: {  	v2 =	vld [tilespmem:s15+$0xFFFFFFB0];
	_ =	sdelay $0x7  }
0x1e: {  	[tilespmem:v2+s9+$0x0] =	vst.idx.add.f32.msk $0xffff, v1  }
0x1f: {  	v2 =	vld [tilespmem:s15+$0xFFFFFFC0];
	_ =	sdelay $0x7  }
0x20: {  	[tilespmem:v2+s9+$0x0] =	vst.idx.add.f32.msk $0xffff, v1  }
0x21: {  	v2 =	vld [tilespmem:s15+$0xFFFFFFD0];
	_ =	sdelay $0x7  }
0x22: {  	[tilespmem:v2+s9+$0x0] =	vst.idx.add.f32.msk $0xffff, v1  }
0x23: {  	v2 =	vld [tilespmem:s15+$0xFFFFFFE0];
	_ =	sdelay $0x7  }
0x24: {  	[tilespmem:v2+s9+$0x0] =	vst.idx.add.f32.msk $0xffff, v1  }
0x25: {  	v2 =	vld [tilespmem:s15+$0xFFFFFFF0];
	_ =	sdelay $0x7  }
0x26: {  	[tilespmem:v2+s9+$0x0] =	vst.idx.add.f32.msk $0xffff, v1  }
0x27: {  	v2 =	vld [tilespmem:s15+$0x0];
	_ =	sdelay $0x2  }
0x28: {  	p0 =	sne.s32 s14, $0x9DC0  }
.Ltmp1:
0x29: {  	_ = 	snop;
	(pc) =	sbr.rel @p0 .LBB2_4-.Ltmp1, $2  }
0x2a: {  	_ =	sdelay $0x2  }
0x2b: {  	s14 =	sadd.s32 $0x200, s14;
	[tilespmem:v2+s9+$0x0] =	vst.idx.add.f32.msk $0xffff, v1  }
0x2c: {  	[tilespmem:s2], [sflag:$0x1] =	stream.linear.gather [hbm4b:s4+s2], $0x2780, $0x38;
	[tilespmem:$0x7800] =	vst v63  }
0x2d: {  	_ =	swait.ge [sflag:s8], $0x2780  }
0x2e: {  	[sflag:s8] =	ssyncset.done $0x0  }
0x2f: {  	s14 =	simm.s32 $0x1C0;
	[sflag:s8] =	ssyncadd.s32 $0xFFFFD880  }
.LBB2_6:
0x30: {  	s15 =	sshra.s32 s14, $0x2  }
0x31: {  	v2 =	vld [tilespmem:s15+$0xFFFFFF90];
	_ =	sdelay $0x7  }
0x32: {  	[tilespmem:v2+s10+$0x0] =	vst.idx.add.f32.msk $0xffff, v1  }
0x33: {  	v2 =	vld [tilespmem:s15+$0xFFFFFFA0];
	_ =	sdelay $0x7  }
0x34: {  	[tilespmem:v2+s10+$0x0] =	vst.idx.add.f32.msk $0xffff, v1  }
0x35: {  	v2 =	vld [tilespmem:s15+$0xFFFFFFB0];
	_ =	sdelay $0x7  }
0x36: {  	[tilespmem:v2+s10+$0x0] =	vst.idx.add.f32.msk $0xffff, v1  }
0x37: {  	v2 =	vld [tilespmem:s15+$0xFFFFFFC0];
	_ =	sdelay $0x7  }
0x38: {  	[tilespmem:v2+s10+$0x0] =	vst.idx.add.f32.msk $0xffff, v1  }
0x39: {  	v2 =	vld [tilespmem:s15+$0xFFFFFFD0];
	_ =	sdelay $0x7  }
0x3a: {  	[tilespmem:v2+s10+$0x0] =	vst.idx.add.f32.msk $0xffff, v1  }
0x3b: {  	v2 =	vld [tilespmem:s15+$0xFFFFFFE0];
	_ =	sdelay $0x7  }
0x3c: {  	[tilespmem:v2+s10+$0x0] =	vst.idx.add.f32.msk $0xffff, v1  }
0x3d: {  	v2 =	vld [tilespmem:s15+$0xFFFFFFF0];
	_ =	sdelay $0x7  }
0x3e: {  	[tilespmem:v2+s10+$0x0] =	vst.idx.add.f32.msk $0xffff, v1  }
0x3f: {  	v2 =	vld [tilespmem:s15+$0x0];
	_ =	sdelay $0x2  }
0x40: {  	p0 =	sne.s32 s14, $0x9DC0  }
.Ltmp2:
0x41: {  	_ = 	snop;
	(pc) =	sbr.rel @p0 .LBB2_6-.Ltmp2, $2  }
0x42: {  	_ =	sdelay $0x2  }
0x43: {  	s14 =	sadd.s32 $0x200, s14;
	[tilespmem:v2+s10+$0x0] =	vst.idx.add.f32.msk $0xffff, v1  }
0x44: {  	[hbm4b:s5+s11] =	stream.strided.scatter [tilespmem:s9], [sflag:$0x1], $0x2800, s12, s11, $0x38;
	[tilespmem:$0x7800] =	vst v63  }
0x45: {  	s13 =	sadd.s32 $0x1, s13;
	_ =	swait.ge [sflag:s8], $0x2800  }
0x46: {  	p0 =	sne.s32 s13, s7;
	[sflag:s8] =	ssyncset.done $0x0  }
.Ltmp3:
0x47: {  	[sflag:s8] =	ssyncadd.s32 $0xFFFFD800;
	(pc) =	sbr.rel @p0 .LBB2_1-.Ltmp3, $4  }
0x48: {  	[hbm4b:s6+s11] =	stream.strided.scatter [tilespmem:s10], [sflag:$0x1], $0x2800, s12, s11, $0x38;
	[tilespmem:$0x7800] =	vst v63  }
0x49: {  	_ =	swait.ge [sflag:s8], $0x2800  }
0x4a: {  	[sflag:s8] =	ssyncset.done $0x0  }
0x4b: {  	[sflag:s8] =	ssyncadd.s32 $0xFFFFD800  }
0x4c: {  	_ =	sfence.sel $0x180000  }
0x4d: {  	[bflag:$0x0] =	sbarrier.arrive $0xFFFF  }
0x4e: {  	p0 =	sne.s32 s0, $0x0;
	_ =	strace $0x90000047  }
0x4f: {  	s0 =	sadd.s32 @!p0 $0x100000, s1;
	[bflag:$0x2] =	sbarrier.arrive $0xFFFF  }
0x50: {  	[sflag:s0] =	ssyncadd.tile.s32 @!p0 $0x1;
	_ =	shalt  }
.Lfunc_end2:
_tile_overlayer_lowered:
.L_overlay_start_2:
0x51: {  	(tag) =	ssettag $0x2  }
0x52: {  	s0 =	rddreg [dreg:$0x0];
	s2 =	stileid.u32  }
0x53: {  	s1 =	rddreg [dreg:$0x1];
	p0 =	sne.s32 s2, $0x0  }
0x54: {  	s3 =	rddreg [dreg:$0x2];
	[bflag:$0x3] =	sbarrier.arrive $0xFFFF;
	s2 =	simm.s32 @!p0 $0x1C01  }
0x55: {  	[timem:s3], [sflag:s2] =	dma.local @!p0 [hbm:s0], s1  }
0x56: {  	s0 =	simm.s32 @!p0 $0x1  }
0x57: {  	_ =	swait.ge @!p0 [sflag:s0], s1  }
0x58: {  	s1 =	ssub.s32 @!p0 $0x0, s1;
	[sflag:s0] =	ssyncset.done @!p0 $0x0  }
0x59: {  	[sflag:s0] =	ssyncadd.s32 @!p0 s1  }
0x5a: {  	[bflag:$0x3] =	sbarrier.arrive $0xFFFF  }
0x5b: {  	_ =	shalt  }

</sc_bundles>
